<compile_context>
chip_gen: v7x
topology: tpu7x:2x2x1
jax: 0.10.2.dev20260603
libtpu: 0.0.44.dev20260713+nightly
codegen_flags: <defaults>
</compile_context>

<pallas_src>
import functools

import jax
import jax.numpy as jnp
from jax import lax
from jax.experimental import pallas as pl
from jax.experimental.pallas import tpu as pltpu
from jax.experimental.pallas import tpu_sc as plsc

NUM_EXPERTS = 8
TOP_K = 2
BS = 256
SC_CORES = 2
SC_SUBCORES = 16
NW = SC_CORES * SC_SUBCORES


def _router_kernel(x_ref, gw_ref, ei_ref, ew_ref):
    x = x_ref[...]
    gw = gw_ref[...]
    logits = jax.lax.dot_general(
        x, gw, (((1,), (1,)), ((), ())),
        preferred_element_type=jnp.float32,
        precision=jax.lax.Precision.DEFAULT)
    p = jax.nn.softmax(logits, axis=-1)
    e_dim = p.shape[-1]
    iota = jax.lax.broadcasted_iota(jnp.int32, p.shape, 1)
    m1 = jnp.max(p, axis=-1, keepdims=True)
    i1 = jnp.min(jnp.where(p == m1, iota, e_dim), axis=-1, keepdims=True)
    mask1 = iota == i1
    pm = jnp.where(mask1, -jnp.inf, p)
    m2 = jnp.max(pm, axis=-1, keepdims=True)
    i2 = jnp.min(jnp.where(pm == m2, iota, e_dim), axis=-1, keepdims=True)
    denom = m1 + m2
    ei_ref[...] = jnp.concatenate([i1, i2], axis=1)
    ew_ref[...] = jnp.concatenate([m1 / denom, m2 / denom], axis=1)


def _gmm_kernel(be_ref, nv_ref, first_ref, slot_ref, pfe_ref,
                xs_ref, gp_ref, up_ref, dp_ref, ys_ref,
                gpc_ref, upc_ref, dpc_ref, sems):
    i = pl.program_id(0)

    def _start(e, par):
        pltpu.make_async_copy(
            gp_ref.at[e], gpc_ref.at[par], sems.at[par]).start()
        pltpu.make_async_copy(
            up_ref.at[e], upc_ref.at[par], sems.at[par]).start()
        pltpu.make_async_copy(
            dp_ref.at[e], dpc_ref.at[par], sems.at[par]).start()

    def _wait(e, par):
        pltpu.make_async_copy(
            gp_ref.at[e], gpc_ref.at[par], sems.at[par]).wait()
        pltpu.make_async_copy(
            up_ref.at[e], upc_ref.at[par], sems.at[par]).wait()
        pltpu.make_async_copy(
            dp_ref.at[e], dpc_ref.at[par], sems.at[par]).wait()

    @pl.when(i < nv_ref[0])
    def _():
        e = be_ref[i]
        par = slot_ref[i]

        @pl.when(i == 0)
        def _():
            _start(e, par)

        @pl.when(first_ref[i] == 1)
        def _():
            _wait(e, par)
            pe = pfe_ref[i]

            @pl.when(pe >= 0)
            def _():
                _start(pe, 1 - par)

        xb = xs_ref[...]
        g = jax.lax.dot_general(
            xb, gpc_ref[par], (((1,), (1,)), ((), ())),
            preferred_element_type=jnp.float32,
            precision=jax.lax.Precision.DEFAULT)
        u = jax.lax.dot_general(
            xb, upc_ref[par], (((1,), (1,)), ((), ())),
            preferred_element_type=jnp.float32,
            precision=jax.lax.Precision.DEFAULT)
        h = (g * jax.lax.logistic(g)) * u
        y = jax.lax.dot_general(
            h, dpc_ref[par], (((1,), (1,)), ((), ())),
            preferred_element_type=jnp.float32,
            precision=jax.lax.Precision.DEFAULT)
        ys_ref[...] = y


def _wadd_kernel(yg0_ref, yg1_ref, w_ref, out_ref):
    w = w_ref[...]
    out_ref[...] = w[:, 0:1] * yg0_ref[...] + w[:, 1:2] * yg1_ref[...]


def _sc_dispatch(x, dst_e3, dst_o3, p_max, d):
    _, k_chunks, ck = dst_e3.shape
    mesh = plsc.VectorSubcoreMesh(core_axis_name="c", subcore_axis_name="s")

    @functools.partial(
        pl.kernel, mesh=mesh,
        out_type=jax.ShapeDtypeStruct((p_max, d), jnp.float32),
        scratch_types=[
            pltpu.VMEM((k_chunks, ck), jnp.int32),
            pltpu.VMEM((k_chunks, ck), jnp.int32),
            pltpu.VMEM((ck, d), jnp.float32),
            pltpu.VMEM((ck, d), jnp.float32),
            pltpu.SemaphoreType.DMA,
            pltpu.SemaphoreType.DMA,
        ],
    )
    def k(x_hbm, de_hbm, do_hbm, xs_hbm, de_v, do_v, rows_a, rows_b,
          sem_a, sem_b):
        wid = lax.axis_index("s") * SC_CORES + lax.axis_index("c")
        base = wid * k_chunks * ck
        pltpu.sync_copy(de_hbm.at[wid], de_v)
        pltpu.sync_copy(do_hbm.at[wid], do_v)

        bufs = (rows_a, rows_b)
        sems = (sem_a, sem_b)
        pend = {}
        for ci in range(k_chunks):
            if ci >= 2:
                pend.pop(ci - 2).wait()
                pltpu.sync_copy(bufs[(ci - 2) % 2],
                                xs_hbm.at[de_v.at[ci - 2]])
                pltpu.sync_copy(bufs[(ci - 2) % 2],
                                xs_hbm.at[do_v.at[ci - 2]])
            pend[ci] = pltpu.async_copy(
                x_hbm.at[pl.ds(base + ci * ck, ck)],
                bufs[ci % 2], sems[ci % 2])
        for ci in sorted(pend):
            pend[ci].wait()
            pltpu.sync_copy(bufs[ci % 2], xs_hbm.at[de_v.at[ci]])
            pltpu.sync_copy(bufs[ci % 2], xs_hbm.at[do_v.at[ci]])

    return k(x, dst_e3, dst_o3)


def _sc_gather(ys, idx, n_rows, d):
    b_per_w = n_rows // NW
    cr = 32
    n_chunks = b_per_w // cr
    mesh = plsc.VectorSubcoreMesh(core_axis_name="c", subcore_axis_name="s")

    @functools.partial(
        pl.kernel, mesh=mesh,
        out_type=jax.ShapeDtypeStruct((n_rows, d), jnp.float32),
        scratch_types=[
            pltpu.VMEM((b_per_w,), jnp.int32),
            pltpu.VMEM((cr, d), jnp.float32),
            pltpu.VMEM((cr, d), jnp.float32),
            pltpu.SemaphoreType.DMA,
            pltpu.SemaphoreType.DMA,
        ],
    )
    def k(ys_hbm, idx_hbm, out_hbm, idx_v, rows_a, rows_b, sem_a, sem_b):
        wid = lax.axis_index("s") * SC_CORES + lax.axis_index("c")
        base = wid * b_per_w
        pltpu.sync_copy(idx_hbm.at[pl.ds(base, b_per_w)], idx_v)

        bufs = (rows_a, rows_b)
        sems = (sem_a, sem_b)
        pend = {}
        for ci in range(n_chunks):
            if ci >= 2:
                pend.pop(ci - 2).wait()
                pltpu.sync_copy(
                    bufs[ci % 2],
                    out_hbm.at[pl.ds(base + (ci - 2) * cr, cr)])
            pend[ci] = pltpu.async_copy(
                ys_hbm.at[idx_v.at[pl.ds(ci * cr, cr)]],
                bufs[ci % 2], sems[ci % 2])
        for ci in sorted(pend):
            pend[ci].wait()
            pltpu.sync_copy(bufs[ci % 2],
                            out_hbm.at[pl.ds(base + ci * cr, cr)])

    return k(ys, idx)


@functools.partial(jax.jit, static_argnames=())
def kernel(hidden_states, gate_w, gate_proj, up_proj, down_proj):
    b, s, h = hidden_states.shape
    x = hidden_states.reshape(-1, h)
    t = x.shape[0]
    f = gate_proj.shape[1]
    n_pairs = t * TOP_K
    p_max = n_pairs + NUM_EXPERTS * BS
    nb = p_max // BS

    ei, ew = pl.pallas_call(
        _router_kernel,
        out_shape=(jax.ShapeDtypeStruct((t, TOP_K), jnp.int32),
                   jax.ShapeDtypeStruct((t, TOP_K), jnp.float32)),
    )(x, gate_w)

    eflat = ei.reshape(-1)
    onehot = (eflat[:, None] == jnp.arange(NUM_EXPERTS)[None, :]
              ).astype(jnp.int32)
    ranks = jnp.cumsum(onehot, axis=0) - 1
    myrank = jnp.take_along_axis(ranks, eflat[:, None], axis=1)[:, 0]
    counts = onehot.sum(axis=0)
    padded = ((counts + BS - 1) // BS) * BS
    cum_pad = jnp.cumsum(padded)
    pad_off = cum_pad - padded
    dst = pad_off[eflat] + myrank
    blk_start = jnp.arange(nb, dtype=jnp.int32) * BS

    ck = 32
    k_chunks = t // (NW * ck)
    dst_e3 = dst[0::2].reshape(NW, k_chunks, ck)
    dst_o3 = dst[1::2].reshape(NW, k_chunks, ck)

    xs = _sc_dispatch(x, dst_e3, dst_o3, p_max, h)

    be = jnp.minimum(
        jnp.sum(blk_start[:, None] >= cum_pad[None, :], axis=1),
        NUM_EXPERTS - 1).astype(jnp.int32)
    nvalid = (cum_pad[-1] // BS).astype(jnp.int32)[None]
    first = jnp.concatenate(
        [jnp.ones((1,), jnp.int32),
         (be[1:] != be[:-1]).astype(jnp.int32)])
    slot = ((jnp.cumsum(first) - 1) % 2).astype(jnp.int32)
    run_end = jnp.sum(
        be[:, None] >= be[None, :], axis=1).astype(jnp.int32)
    pfe = jnp.where(run_end < nvalid[0],
                    be[jnp.minimum(run_end, nb - 1)], -1).astype(jnp.int32)

    grid_spec = pltpu.PrefetchScalarGridSpec(
        num_scalar_prefetch=5,
        grid=(nb,),
        in_specs=[
            pl.BlockSpec((BS, h), lambda i, *_: (i, 0)),
            pl.BlockSpec(memory_space=pl.ANY),
            pl.BlockSpec(memory_space=pl.ANY),
            pl.BlockSpec(memory_space=pl.ANY),
        ],
        out_specs=pl.BlockSpec((BS, h), lambda i, *_: (i, 0)),
        scratch_shapes=[
            pltpu.VMEM((2, f, h), jnp.float32),
            pltpu.VMEM((2, f, h), jnp.float32),
            pltpu.VMEM((2, h, f), jnp.float32),
            pltpu.SemaphoreType.DMA((2,)),
        ],
    )
    ys = pl.pallas_call(
        _gmm_kernel,
        grid_spec=grid_spec,
        out_shape=jax.ShapeDtypeStruct((p_max, h), jnp.float32),
    )(be, nvalid, first, slot, pfe, xs, gate_proj, up_proj, down_proj)

    dst_kt = dst.reshape(t, TOP_K).T.reshape(-1)
    yg = _sc_gather(ys, dst_kt, n_pairs, h)

    tb = 256
    out = pl.pallas_call(
        _wadd_kernel,
        grid=(t // tb,),
        in_specs=[pl.BlockSpec((tb, h), lambda i: (i, 0)),
                  pl.BlockSpec((tb, h), lambda i: (i + t // tb, 0)),
                  pl.BlockSpec((tb, TOP_K), lambda i: (i, 0))],
        out_specs=pl.BlockSpec((tb, h), lambda i: (i, 0)),
        out_shape=jax.ShapeDtypeStruct((t, h), jnp.float32),
    )(yg, yg, ew)
    return out.reshape(b, s, h)

# --- scband reference (transcript-rebuilt; emitter-appended) ---
"""Pipeline reference for scband-linear-qwen3-vlmoe-text-sparse-moe-block-78554951844231 (READ-ONLY COPY).

The authoritative reference and input builder live on the scoring server;
editing this copy changes nothing except your own understanding.
"""

import jax, jax.numpy as jnp
import numpy as np

NUM_EXPERTS = 8
TOP_K = 2
D_MODEL = 1024
D_FF = 768
B, S = 1, 2048


def setup_inputs(seed: int = 0) -> dict:
    key = jax.random.key(seed)
    ks = jax.random.split(key, 5)
    hidden_states = jax.random.normal(ks[0], (B, S, D_MODEL), dtype=jnp.float32)
    gate_w = jax.random.normal(ks[1], (NUM_EXPERTS, D_MODEL), dtype=jnp.float32) * 0.02
    gate_proj = jax.random.normal(ks[2], (NUM_EXPERTS, D_FF, D_MODEL), dtype=jnp.float32) * 0.02
    up_proj = jax.random.normal(ks[3], (NUM_EXPERTS, D_FF, D_MODEL), dtype=jnp.float32) * 0.02
    down_proj = jax.random.normal(ks[4], (NUM_EXPERTS, D_MODEL, D_FF), dtype=jnp.float32) * 0.02
    return {"hidden_states": hidden_states, "gate_w": gate_w,
            "gate_proj": gate_proj, "up_proj": up_proj, "down_proj": down_proj}


def reference(hidden_states, gate_w, gate_proj, up_proj, down_proj):
    b, s, h = hidden_states.shape
    x = hidden_states.reshape(-1, h)
    # router (gate): Linear(hidden_size -> num_experts, bias=False)
    router_logits = x @ gate_w.T
    routing_weights = jax.nn.softmax(router_logits.astype(jnp.float32), axis=1)
    routing_weights, router_indices = jax.lax.top_k(routing_weights, TOP_K)
    routing_weights = routing_weights / jnp.sum(routing_weights, axis=-1, keepdims=True)
    routing_weights = routing_weights.astype(x.dtype)
    # per-token per-expert combine weight; zero for experts not in token's top-k.
    # Mathematically identical to the torch loop with index_add_ over token_idx.
    expert_onehot = jax.nn.one_hot(router_indices, NUM_EXPERTS, dtype=x.dtype)  # [T, K, E]
    combine = jnp.einsum('tk,tke->te', routing_weights, expert_onehot)  # [T, E]

    def expert_fn(gw, uw, dw):
        # Qwen3VLMoeTextMLP: down(silu(gate(x)) * up(x)), all Linear(bias=False)
        g = x @ gw.T
        u = x @ uw.T
        return (jax.nn.silu(g) * u) @ dw.T

    expert_outs = jax.vmap(expert_fn)(gate_proj, up_proj, down_proj)  # [E, T, H]
    next_states = jnp.einsum('eth,te->th', expert_outs, combine)
    return next_states.reshape(b, s, h)

if __name__ == "__main__":
    import jax
    _d = setup_inputs()
    print(jax.jit(kernel)(*tuple(_d.values())))

</pallas_src>

<mosaic_0001>
#map = affine_map<(d0, d1) -> (0, 0)>
#map1 = affine_map<(d0, d1) -> (0)>
module attributes {stable_mosaic.version = 14 : i64} {
  func.func @k(%arg0: i32, %arg1: i32, %arg2: memref<6144x1024xf32, #tpu.memory_space<hbm>>, %arg3: memref<4096xi32, #tpu.memory_space<hbm>>, %arg4: memref<4096x1024xf32, #tpu.memory_space<hbm>>, %arg5: memref<128xi32, #tpu.memory_space<vmem>>, %arg6: memref<32x1024xf32, #tpu.memory_space<vmem>>, %arg7: memref<32x1024xf32, #tpu.memory_space<vmem>>, %arg8: memref<!tpu.dma_semaphore, #tpu.memory_space<semaphore_mem>>, %arg9: memref<!tpu.dma_semaphore, #tpu.memory_space<semaphore_mem>>) attributes {dimension_semantics = [#tpu.dimension_semantics<core_parallel>, #tpu.dimension_semantics<subcore_parallel>], iteration_bounds = array<i64: 2, 16>, scalar_prefetch = 0 : i64, scratch_operands = 5 : i64, tpu.core_type = #tpu.core_type<sc_vector_subcore>, window_params = [{transform_indices = #map}, {transform_indices = #map1}, {transform_indices = #map}]} {
    %mul3A = arith.constant 2 : i32
    %mul3A_0 = arith.muli %arg1, %mul3A : i32
    %add3A = arith.addi %mul3A_0, %arg0 : i32
    %mul3A_1 = arith.constant 128 : i32
    %mul3A_2 = arith.muli %add3A, %mul3A_1 : i32
    "tpu.region"() ({
      %run_scoped3A = tpu.sem_alloc : memref<!tpu.dma_semaphore, #tpu.memory_space<semaphore_mem>>
      %dma_start3A_49 = tpu.memref_slice %arg3[%mul3A_2] : memref<4096xi32, #tpu.memory_space<hbm>> -> memref<128xi32, #tpu.memory_space<hbm>>
      %dma_start3A_50 = tpu.memref_slice %arg3[%mul3A_2] : memref<4096xi32, #tpu.memory_space<hbm>> -> memref<128xi32, #tpu.memory_space<hbm>>
      tpu.enqueue_dma source(%dma_start3A_50 : memref<128xi32, #tpu.memory_space<hbm>>) target(%arg5 : memref<128xi32, #tpu.memory_space<vmem>>) target_semaphore(%run_scoped3A : memref<!tpu.dma_semaphore, #tpu.memory_space<semaphore_mem>>)
      %dma_wait3A_51 = tpu.memref_slice %arg3[%mul3A_2] : memref<4096xi32, #tpu.memory_space<hbm>> -> memref<128xi32, #tpu.memory_space<hbm>>
      %dma_wait3A_52 = tpu.memref_slice %arg3[%mul3A_2] : memref<4096xi32, #tpu.memory_space<hbm>> -> memref<128xi32, #tpu.memory_space<hbm>>
      tpu.wait_dma2 semaphore(%run_scoped3A : memref<!tpu.dma_semaphore, #tpu.memory_space<semaphore_mem>>) src(%dma_wait3A_52 : memref<128xi32, #tpu.memory_space<hbm>>) dst(%arg5 : memref<128xi32, #tpu.memory_space<vmem>>)
      tpu.yield
    }) : () -> ()
    %dma_start3A = arith.constant 0 : i32
    %dma_start3A_3 = tpu.memref_slice %arg5[%dma_start3A] : memref<128xi32, #tpu.memory_space<vmem>> -> memref<32xi32, #tpu.memory_space<vmem>>
    %dma_start3A_4 = arith.constant 0 : i32
    %dma_start3A_5 = arith.constant 0 : i32
    %dma_start3A_6 = tpu.memref_slice %arg2[%dma_start3A_4, %dma_start3A_5] : memref<6144x1024xf32, #tpu.memory_space<hbm>> -> memref<6144x1024xf32, #tpu.memory_space<hbm>>
    tpu.enqueue_indirect_dma source(%dma_start3A_6 : memref<6144x1024xf32, #tpu.memory_space<hbm>>) target(%arg6 : memref<32x1024xf32, #tpu.memory_space<vmem>>) offsets(%dma_start3A_3 : memref<32xi32, #tpu.memory_space<vmem>>) semaphore(%arg8 : memref<!tpu.dma_semaphore, #tpu.memory_space<semaphore_mem>>)
    %dma_start3A_7 = arith.constant 32 : i32
    %dma_start3A_8 = tpu.memref_slice %arg5[%dma_start3A_7] : memref<128xi32, #tpu.memory_space<vmem>> -> memref<32xi32, #tpu.memory_space<vmem>>
    %dma_start3A_9 = arith.constant 0 : i32
    %dma_start3A_10 = arith.constant 0 : i32
    %dma_start3A_11 = tpu.memref_slice %arg2[%dma_start3A_9, %dma_start3A_10] : memref<6144x1024xf32, #tpu.memory_space<hbm>> -> memref<6144x1024xf32, #tpu.memory_space<hbm>>
    tpu.enqueue_indirect_dma source(%dma_start3A_11 : memref<6144x1024xf32, #tpu.memory_space<hbm>>) target(%arg7 : memref<32x1024xf32, #tpu.memory_space<vmem>>) offsets(%dma_start3A_8 : memref<32xi32, #tpu.memory_space<vmem>>) semaphore(%arg9 : memref<!tpu.dma_semaphore, #tpu.memory_space<semaphore_mem>>)
    %dma_wait3A = arith.constant 0 : i32
    %dma_wait3A_12 = tpu.memref_slice %arg5[%dma_wait3A] : memref<128xi32, #tpu.memory_space<vmem>> -> memref<32xi32, #tpu.memory_space<vmem>>
    %dma_wait3A_13 = arith.constant 0 : i32
    %dma_wait3A_14 = arith.constant 0 : i32
    %dma_wait3A_15 = tpu.memref_slice %arg2[%dma_wait3A_13, %dma_wait3A_14] : memref<6144x1024xf32, #tpu.memory_space<hbm>> -> memref<6144x1024xf32, #tpu.memory_space<hbm>>
    tpu.wait_indirect_dma semaphore(%arg8 : memref<!tpu.dma_semaphore, #tpu.memory_space<semaphore_mem>>) src(%dma_wait3A_15 : memref<6144x1024xf32, #tpu.memory_space<hbm>>) dst(%arg6 : memref<32x1024xf32, #tpu.memory_space<vmem>>)
    %add3A_16 = arith.constant 0 : i32
    %add3A_17 = arith.addi %mul3A_2, %add3A_16 : i32
    "tpu.region"() ({
      %run_scoped3A = tpu.sem_alloc : memref<!tpu.dma_semaphore, #tpu.memory_space<semaphore_mem>>
      %dma_start3A_49 = arith.constant 0 : i32
      %dma_start3A_50 = tpu.memref_slice %arg4[%add3A_17, %dma_start3A_49] : memref<4096x1024xf32, #tpu.memory_space<hbm>> -> memref<32x1024xf32, #tpu.memory_space<hbm>>
      %dma_start3A_51 = arith.constant 0 : i32
      %dma_start3A_52 = tpu.memref_slice %arg4[%add3A_17, %dma_start3A_51] : memref<4096x1024xf32, #tpu.memory_space<hbm>> -> memref<32x1024xf32, #tpu.memory_space<hbm>>
      tpu.enqueue_dma source(%arg6 : memref<32x1024xf32, #tpu.memory_space<vmem>>) target(%dma_start3A_52 : memref<32x1024xf32, #tpu.memory_space<hbm>>) target_semaphore(%run_scoped3A : memref<!tpu.dma_semaphore, #tpu.memory_space<semaphore_mem>>)
      %dma_wait3A_53 = arith.constant 0 : i32
      %dma_wait3A_54 = tpu.memref_slice %arg4[%add3A_17, %dma_wait3A_53] : memref<4096x1024xf32, #tpu.memory_space<hbm>> -> memref<32x1024xf32, #tpu.memory_space<hbm>>
      %dma_wait3A_55 = arith.constant 0 : i32
      %dma_wait3A_56 = tpu.memref_slice %arg4[%add3A_17, %dma_wait3A_55] : memref<4096x1024xf32, #tpu.memory_space<hbm>> -> memref<32x1024xf32, #tpu.memory_space<hbm>>
      tpu.wait_dma2 semaphore(%run_scoped3A : memref<!tpu.dma_semaphore, #tpu.memory_space<semaphore_mem>>) src(%arg6 : memref<32x1024xf32, #tpu.memory_space<vmem>>) dst(%dma_wait3A_56 : memref<32x1024xf32, #tpu.memory_space<hbm>>)
      tpu.yield
    }) : () -> ()
    %dma_start3A_18 = arith.constant 64 : i32
    %dma_start3A_19 = tpu.memref_slice %arg5[%dma_start3A_18] : memref<128xi32, #tpu.memory_space<vmem>> -> memref<32xi32, #tpu.memory_space<vmem>>
    %dma_start3A_20 = arith.constant 0 : i32
    %dma_start3A_21 = arith.constant 0 : i32
    %dma_start3A_22 = tpu.memref_slice %arg2[%dma_start3A_20, %dma_start3A_21] : memref<6144x1024xf32, #tpu.memory_space<hbm>> -> memref<6144x1024xf32, #tpu.memory_space<hbm>>
    tpu.enqueue_indirect_dma source(%dma_start3A_22 : memref<6144x1024xf32, #tpu.memory_space<hbm>>) target(%arg6 : memref<32x1024xf32, #tpu.memory_space<vmem>>) offsets(%dma_start3A_19 : memref<32xi32, #tpu.memory_space<vmem>>) semaphore(%arg8 : memref<!tpu.dma_semaphore, #tpu.memory_space<semaphore_mem>>)
    %dma_wait3A_23 = arith.constant 32 : i32
    %dma_wait3A_24 = tpu.memref_slice %arg5[%dma_wait3A_23] : memref<128xi32, #tpu.memory_space<vmem>> -> memref<32xi32, #tpu.memory_space<vmem>>
    %dma_wait3A_25 = arith.constant 0 : i32
    %dma_wait3A_26 = arith.constant 0 : i32
    %dma_wait3A_27 = tpu.memref_slice %arg2[%dma_wait3A_25, %dma_wait3A_26] : memref<6144x1024xf32, #tpu.memory_space<hbm>> -> memref<6144x1024xf32, #tpu.memory_space<hbm>>
    tpu.wait_indirect_dma semaphore(%arg9 : memref<!tpu.dma_semaphore, #tpu.memory_space<semaphore_mem>>) src(%dma_wait3A_27 : memref<6144x1024xf32, #tpu.memory_space<hbm>>) dst(%arg7 : memref<32x1024xf32, #tpu.memory_space<vmem>>)
    %add3A_28 = arith.constant 32 : i32
    %add3A_29 = arith.addi %mul3A_2, %add3A_28 : i32
    "tpu.region"() ({
      %run_scoped3A = tpu.sem_alloc : memref<!tpu.dma_semaphore, #tpu.memory_space<semaphore_mem>>
      %dma_start3A_49 = arith.constant 0 : i32
      %dma_start3A_50 = tpu.memref_slice %arg4[%add3A_29, %dma_start3A_49] : memref<4096x1024xf32, #tpu.memory_space<hbm>> -> memref<32x1024xf32, #tpu.memory_space<hbm>>
      %dma_start3A_51 = arith.constant 0 : i32
      %dma_start3A_52 = tpu.memref_slice %arg4[%add3A_29, %dma_start3A_51] : memref<4096x1024xf32, #tpu.memory_space<hbm>> -> memref<32x1024xf32, #tpu.memory_space<hbm>>
      tpu.enqueue_dma source(%arg7 : memref<32x1024xf32, #tpu.memory_space<vmem>>) target(%dma_start3A_52 : memref<32x1024xf32, #tpu.memory_space<hbm>>) target_semaphore(%run_scoped3A : memref<!tpu.dma_semaphore, #tpu.memory_space<semaphore_mem>>)
      %dma_wait3A_53 = arith.constant 0 : i32
      %dma_wait3A_54 = tpu.memref_slice %arg4[%add3A_29, %dma_wait3A_53] : memref<4096x1024xf32, #tpu.memory_space<hbm>> -> memref<32x1024xf32, #tpu.memory_space<hbm>>
      %dma_wait3A_55 = arith.constant 0 : i32
      %dma_wait3A_56 = tpu.memref_slice %arg4[%add3A_29, %dma_wait3A_55] : memref<4096x1024xf32, #tpu.memory_space<hbm>> -> memref<32x1024xf32, #tpu.memory_space<hbm>>
      tpu.wait_dma2 semaphore(%run_scoped3A : memref<!tpu.dma_semaphore, #tpu.memory_space<semaphore_mem>>) src(%arg7 : memref<32x1024xf32, #tpu.memory_space<vmem>>) dst(%dma_wait3A_56 : memref<32x1024xf32, #tpu.memory_space<hbm>>)
      tpu.yield
    }) : () -> ()
    %dma_start3A_30 = arith.constant 96 : i32
    %dma_start3A_31 = tpu.memref_slice %arg5[%dma_start3A_30] : memref<128xi32, #tpu.memory_space<vmem>> -> memref<32xi32, #tpu.memory_space<vmem>>
    %dma_start3A_32 = arith.constant 0 : i32
    %dma_start3A_33 = arith.constant 0 : i32
    %dma_start3A_34 = tpu.memref_slice %arg2[%dma_start3A_32, %dma_start3A_33] : memref<6144x1024xf32, #tpu.memory_space<hbm>> -> memref<6144x1024xf32, #tpu.memory_space<hbm>>
    tpu.enqueue_indirect_dma source(%dma_start3A_34 : memref<6144x1024xf32, #tpu.memory_space<hbm>>) target(%arg7 : memref<32x1024xf32, #tpu.memory_space<vmem>>) offsets(%dma_start3A_31 : memref<32xi32, #tpu.memory_space<vmem>>) semaphore(%arg9 : memref<!tpu.dma_semaphore, #tpu.memory_space<semaphore_mem>>)
    %dma_wait3A_35 = arith.constant 64 : i32
    %dma_wait3A_36 = tpu.memref_slice %arg5[%dma_wait3A_35] : memref<128xi32, #tpu.memory_space<vmem>> -> memref<32xi32, #tpu.memory_space<vmem>>
    %dma_wait3A_37 = arith.constant 0 : i32
    %dma_wait3A_38 = arith.constant 0 : i32
    %dma_wait3A_39 = tpu.memref_slice %arg2[%dma_wait3A_37, %dma_wait3A_38] : memref<6144x1024xf32, #tpu.memory_space<hbm>> -> memref<6144x1024xf32, #tpu.memory_space<hbm>>
    tpu.wait_indirect_dma semaphore(%arg8 : memref<!tpu.dma_semaphore, #tpu.memory_space<semaphore_mem>>) src(%dma_wait3A_39 : memref<6144x1024xf32, #tpu.memory_space<hbm>>) dst(%arg6 : memref<32x1024xf32, #tpu.memory_space<vmem>>)
    %add3A_40 = arith.constant 64 : i32
    %add3A_41 = arith.addi %mul3A_2, %add3A_40 : i32
    "tpu.region"() ({
      %run_scoped3A = tpu.sem_alloc : memref<!tpu.dma_semaphore, #tpu.memory_space<semaphore_mem>>
      %dma_start3A_49 = arith.constant 0 : i32
      %dma_start3A_50 = tpu.memref_slice %arg4[%add3A_41, %dma_start3A_49] : memref<4096x1024xf32, #tpu.memory_space<hbm>> -> memref<32x1024xf32, #tpu.memory_space<hbm>>
      %dma_start3A_51 = arith.constant 0 : i32
      %dma_start3A_52 = tpu.memref_slice %arg4[%add3A_41, %dma_start3A_51] : memref<4096x1024xf32, #tpu.memory_space<hbm>> -> memref<32x1024xf32, #tpu.memory_space<hbm>>
      tpu.enqueue_dma source(%arg6 : memref<32x1024xf32, #tpu.memory_space<vmem>>) target(%dma_start3A_52 : memref<32x1024xf32, #tpu.memory_space<hbm>>) target_semaphore(%run_scoped3A : memref<!tpu.dma_semaphore, #tpu.memory_space<semaphore_mem>>)
      %dma_wait3A_53 = arith.constant 0 : i32
      %dma_wait3A_54 = tpu.memref_slice %arg4[%add3A_41, %dma_wait3A_53] : memref<4096x1024xf32, #tpu.memory_space<hbm>> -> memref<32x1024xf32, #tpu.memory_space<hbm>>
      %dma_wait3A_55 = arith.constant 0 : i32
      %dma_wait3A_56 = tpu.memref_slice %arg4[%add3A_41, %dma_wait3A_55] : memref<4096x1024xf32, #tpu.memory_space<hbm>> -> memref<32x1024xf32, #tpu.memory_space<hbm>>
      tpu.wait_dma2 semaphore(%run_scoped3A : memref<!tpu.dma_semaphore, #tpu.memory_space<semaphore_mem>>) src(%arg6 : memref<32x1024xf32, #tpu.memory_space<vmem>>) dst(%dma_wait3A_56 : memref<32x1024xf32, #tpu.memory_space<hbm>>)
      tpu.yield
    }) : () -> ()
    %dma_wait3A_42 = arith.constant 96 : i32
    %dma_wait3A_43 = tpu.memref_slice %arg5[%dma_wait3A_42] : memref<128xi32, #tpu.memory_space<vmem>> -> memref<32xi32, #tpu.memory_space<vmem>>
    %dma_wait3A_44 = arith.constant 0 : i32
    %dma_wait3A_45 = arith.constant 0 : i32
    %dma_wait3A_46 = tpu.memref_slice %arg2[%dma_wait3A_44, %dma_wait3A_45] : memref<6144x1024xf32, #tpu.memory_space<hbm>> -> memref<6144x1024xf32, #tpu.memory_space<hbm>>
    tpu.wait_indirect_dma semaphore(%arg9 : memref<!tpu.dma_semaphore, #tpu.memory_space<semaphore_mem>>) src(%dma_wait3A_46 : memref<6144x1024xf32, #tpu.memory_space<hbm>>) dst(%arg7 : memref<32x1024xf32, #tpu.memory_space<vmem>>)
    %add3A_47 = arith.constant 96 : i32
    %add3A_48 = arith.addi %mul3A_2, %add3A_47 : i32
    "tpu.region"() ({
      %run_scoped3A = tpu.sem_alloc : memref<!tpu.dma_semaphore, #tpu.memory_space<semaphore_mem>>
      %dma_start3A_49 = arith.constant 0 : i32
      %dma_start3A_50 = tpu.memref_slice %arg4[%add3A_48, %dma_start3A_49] : memref<4096x1024xf32, #tpu.memory_space<hbm>> -> memref<32x1024xf32, #tpu.memory_space<hbm>>
      %dma_start3A_51 = arith.constant 0 : i32
      %dma_start3A_52 = tpu.memref_slice %arg4[%add3A_48, %dma_start3A_51] : memref<4096x1024xf32, #tpu.memory_space<hbm>> -> memref<32x1024xf32, #tpu.memory_space<hbm>>
      tpu.enqueue_dma source(%arg7 : memref<32x1024xf32, #tpu.memory_space<vmem>>) target(%dma_start3A_52 : memref<32x1024xf32, #tpu.memory_space<hbm>>) target_semaphore(%run_scoped3A : memref<!tpu.dma_semaphore, #tpu.memory_space<semaphore_mem>>)
      %dma_wait3A_53 = arith.constant 0 : i32
      %dma_wait3A_54 = tpu.memref_slice %arg4[%add3A_48, %dma_wait3A_53] : memref<4096x1024xf32, #tpu.memory_space<hbm>> -> memref<32x1024xf32, #tpu.memory_space<hbm>>
      %dma_wait3A_55 = arith.constant 0 : i32
      %dma_wait3A_56 = tpu.memref_slice %arg4[%add3A_48, %dma_wait3A_55] : memref<4096x1024xf32, #tpu.memory_space<hbm>> -> memref<32x1024xf32, #tpu.memory_space<hbm>>
      tpu.wait_dma2 semaphore(%run_scoped3A : memref<!tpu.dma_semaphore, #tpu.memory_space<semaphore_mem>>) src(%arg7 : memref<32x1024xf32, #tpu.memory_space<vmem>>) dst(%dma_wait3A_56 : memref<32x1024xf32, #tpu.memory_space<hbm>>)
      tpu.yield
    }) : () -> ()
    return
  }
}

#map = affine_map<(d0, d1) -> (0, 0)>
#map1 = affine_map<(d0, d1) -> (0, 0, 0)>
module attributes {stable_mosaic.version = 14 : i64} {
  func.func @k(%arg0: i32, %arg1: i32, %arg2: memref<2048x1024xf32, #tpu.memory_space<hbm>>, %arg3: memref<32x2x32xi32, #tpu.memory_space<hbm>>, %arg4: memref<32x2x32xi32, #tpu.memory_space<hbm>>, %arg5: memref<6144x1024xf32, #tpu.memory_space<hbm>>, %arg6: memref<2x32xi32, #tpu.memory_space<vmem>>, %arg7: memref<2x32xi32, #tpu.memory_space<vmem>>, %arg8: memref<32x1024xf32, #tpu.memory_space<vmem>>, %arg9: memref<32x1024xf32, #tpu.memory_space<vmem>>, %arg10: memref<!tpu.dma_semaphore, #tpu.memory_space<semaphore_mem>>, %arg11: memref<!tpu.dma_semaphore, #tpu.memory_space<semaphore_mem>>) attributes {dimension_semantics = [#tpu.dimension_semantics<core_parallel>, #tpu.dimension_semantics<subcore_parallel>], iteration_bounds = array<i64: 2, 16>, scalar_prefetch = 0 : i64, scratch_operands = 6 : i64, tpu.core_type = #tpu.core_type<sc_vector_subcore>, window_params = [{transform_indices = #map}, {transform_indices = #map1}, {transform_indices = #map1}, {transform_indices = #map}]} {
    %mul3A = arith.constant 2 : i32
    %mul3A_0 = arith.muli %arg1, %mul3A : i32
    %add3A = arith.addi %mul3A_0, %arg0 : i32
    %mul3A_1 = arith.constant 2 : i32
    %mul3A_2 = arith.muli %add3A, %mul3A_1 : i32
    %mul3A_3 = arith.constant 32 : i32
    %mul3A_4 = arith.muli %mul3A_2, %mul3A_3 : i32
    "tpu.region"() ({
      %run_scoped3A_26 = tpu.sem_alloc : memref<!tpu.dma_semaphore, #tpu.memory_space<semaphore_mem>>
      %dma_start3A_27 = arith.constant 0 : i32
      %dma_start3A_28 = arith.constant 0 : i32
      %dma_start3A_29 = tpu.memref_slice %arg3[%add3A, %dma_start3A_27, %dma_start3A_28] : memref<32x2x32xi32, #tpu.memory_space<hbm>> -> memref<1x2x32xi32, #tpu.memory_space<hbm>>
      %dma_start3A_30 = tpu.memref_squeeze %dma_start3A_29 : memref<1x2x32xi32, #tpu.memory_space<hbm>> -> memref<2x32xi32, #tpu.memory_space<hbm>>
      %dma_start3A_31 = arith.constant 0 : i32
      %dma_start3A_32 = arith.constant 0 : i32
      %dma_start3A_33 = tpu.memref_slice %arg3[%add3A, %dma_start3A_31, %dma_start3A_32] : memref<32x2x32xi32, #tpu.memory_space<hbm>> -> memref<1x2x32xi32, #tpu.memory_space<hbm>>
      %dma_start3A_34 = tpu.memref_squeeze %dma_start3A_33 : memref<1x2x32xi32, #tpu.memory_space<hbm>> -> memref<2x32xi32, #tpu.memory_space<hbm>>
      tpu.enqueue_dma source(%dma_start3A_34 : memref<2x32xi32, #tpu.memory_space<hbm>>) target(%arg6 : memref<2x32xi32, #tpu.memory_space<vmem>>) target_semaphore(%run_scoped3A_26 : memref<!tpu.dma_semaphore, #tpu.memory_space<semaphore_mem>>)
      %dma_wait3A_35 = arith.constant 0 : i32
      %dma_wait3A_36 = arith.constant 0 : i32
      %dma_wait3A_37 = tpu.memref_slice %arg3[%add3A, %dma_wait3A_35, %dma_wait3A_36] : memref<32x2x32xi32, #tpu.memory_space<hbm>> -> memref<1x2x32xi32, #tpu.memory_space<hbm>>
      %dma_wait3A_38 = tpu.memref_squeeze %dma_wait3A_37 : memref<1x2x32xi32, #tpu.memory_space<hbm>> -> memref<2x32xi32, #tpu.memory_space<hbm>>
      %dma_wait3A_39 = arith.constant 0 : i32
      %dma_wait3A_40 = arith.constant 0 : i32
      %dma_wait3A_41 = tpu.memref_slice %arg3[%add3A, %dma_wait3A_39, %dma_wait3A_40] : memref<32x2x32xi32, #tpu.memory_space<hbm>> -> memref<1x2x32xi32, #tpu.memory_space<hbm>>
      %dma_wait3A_42 = tpu.memref_squeeze %dma_wait3A_41 : memref<1x2x32xi32, #tpu.memory_space<hbm>> -> memref<2x32xi32, #tpu.memory_space<hbm>>
      tpu.wait_dma2 semaphore(%run_scoped3A_26 : memref<!tpu.dma_semaphore, #tpu.memory_space<semaphore_mem>>) src(%dma_wait3A_42 : memref<2x32xi32, #tpu.memory_space<hbm>>) dst(%arg6 : memref<2x32xi32, #tpu.memory_space<vmem>>)
      tpu.yield
    }) : () -> ()
    "tpu.region"() ({
      %run_scoped3A_26 = tpu.sem_alloc : memref<!tpu.dma_semaphore, #tpu.memory_space<semaphore_mem>>
      %dma_start3A_27 = arith.constant 0 : i32
      %dma_start3A_28 = arith.constant 0 : i32
      %dma_start3A_29 = tpu.memref_slice %arg4[%add3A, %dma_start3A_27, %dma_start3A_28] : memref<32x2x32xi32, #tpu.memory_space<hbm>> -> memref<1x2x32xi32, #tpu.memory_space<hbm>>
      %dma_start3A_30 = tpu.memref_squeeze %dma_start3A_29 : memref<1x2x32xi32, #tpu.memory_space<hbm>> -> memref<2x32xi32, #tpu.memory_space<hbm>>
      %dma_start3A_31 = arith.constant 0 : i32
      %dma_start3A_32 = arith.constant 0 : i32
      %dma_start3A_33 = tpu.memref_slice %arg4[%add3A, %dma_start3A_31, %dma_start3A_32] : memref<32x2x32xi32, #tpu.memory_space<hbm>> -> memref<1x2x32xi32, #tpu.memory_space<hbm>>
      %dma_start3A_34 = tpu.memref_squeeze %dma_start3A_33 : memref<1x2x32xi32, #tpu.memory_space<hbm>> -> memref<2x32xi32, #tpu.memory_space<hbm>>
      tpu.enqueue_dma source(%dma_start3A_34 : memref<2x32xi32, #tpu.memory_space<hbm>>) target(%arg7 : memref<2x32xi32, #tpu.memory_space<vmem>>) target_semaphore(%run_scoped3A_26 : memref<!tpu.dma_semaphore, #tpu.memory_space<semaphore_mem>>)
      %dma_wait3A_35 = arith.constant 0 : i32
      %dma_wait3A_36 = arith.constant 0 : i32
      %dma_wait3A_37 = tpu.memref_slice %arg4[%add3A, %dma_wait3A_35, %dma_wait3A_36] : memref<32x2x32xi32, #tpu.memory_space<hbm>> -> memref<1x2x32xi32, #tpu.memory_space<hbm>>
      %dma_wait3A_38 = tpu.memref_squeeze %dma_wait3A_37 : memref<1x2x32xi32, #tpu.memory_space<hbm>> -> memref<2x32xi32, #tpu.memory_space<hbm>>
      %dma_wait3A_39 = arith.constant 0 : i32
      %dma_wait3A_40 = arith.constant 0 : i32
      %dma_wait3A_41 = tpu.memref_slice %arg4[%add3A, %dma_wait3A_39, %dma_wait3A_40] : memref<32x2x32xi32, #tpu.memory_space<hbm>> -> memref<1x2x32xi32, #tpu.memory_space<hbm>>
      %dma_wait3A_42 = tpu.memref_squeeze %dma_wait3A_41 : memref<1x2x32xi32, #tpu.memory_space<hbm>> -> memref<2x32xi32, #tpu.memory_space<hbm>>
      tpu.wait_dma2 semaphore(%run_scoped3A_26 : memref<!tpu.dma_semaphore, #tpu.memory_space<semaphore_mem>>) src(%dma_wait3A_42 : memref<2x32xi32, #tpu.memory_space<hbm>>) dst(%arg7 : memref<2x32xi32, #tpu.memory_space<vmem>>)
      tpu.yield
    }) : () -> ()
    %add3A_5 = arith.constant 0 : i32
    %add3A_6 = arith.addi %mul3A_4, %add3A_5 : i32
    %dma_start3A = arith.constant 0 : i32
    %dma_start3A_7 = tpu.memref_slice %arg2[%add3A_6, %dma_start3A] : memref<2048x1024xf32, #tpu.memory_space<hbm>> -> memref<32x1024xf32, #tpu.memory_space<hbm>>
    %dma_start3A_8 = arith.constant 0 : i32
    %dma_start3A_9 = tpu.memref_slice %arg2[%add3A_6, %dma_start3A_8] : memref<2048x1024xf32, #tpu.memory_space<hbm>> -> memref<32x1024xf32, #tpu.memory_space<hbm>>
    tpu.enqueue_dma source(%dma_start3A_9 : memref<32x1024xf32, #tpu.memory_space<hbm>>) target(%arg8 : memref<32x1024xf32, #tpu.memory_space<vmem>>) target_semaphore(%arg10 : memref<!tpu.dma_semaphore, #tpu.memory_space<semaphore_mem>>)
    %add3A_10 = arith.constant 32 : i32
    %add3A_11 = arith.addi %mul3A_4, %add3A_10 : i32
    %dma_start3A_12 = arith.constant 0 : i32
    %dma_start3A_13 = tpu.memref_slice %arg2[%add3A_11, %dma_start3A_12] : memref<2048x1024xf32, #tpu.memory_space<hbm>> -> memref<32x1024xf32, #tpu.memory_space<hbm>>
    %dma_start3A_14 = arith.constant 0 : i32
    %dma_start3A_15 = tpu.memref_slice %arg2[%add3A_11, %dma_start3A_14] : memref<2048x1024xf32, #tpu.memory_space<hbm>> -> memref<32x1024xf32, #tpu.memory_space<hbm>>
    tpu.enqueue_dma source(%dma_start3A_15 : memref<32x1024xf32, #tpu.memory_space<hbm>>) target(%arg9 : memref<32x1024xf32, #tpu.memory_space<vmem>>) target_semaphore(%arg11 : memref<!tpu.dma_semaphore, #tpu.memory_space<semaphore_mem>>)
    %dma_wait3A = arith.constant 0 : i32
    %dma_wait3A_16 = tpu.memref_slice %arg2[%add3A_6, %dma_wait3A] : memref<2048x1024xf32, #tpu.memory_space<hbm>> -> memref<32x1024xf32, #tpu.memory_space<hbm>>
    %dma_wait3A_17 = arith.constant 0 : i32
    %dma_wait3A_18 = tpu.memref_slice %arg2[%add3A_6, %dma_wait3A_17] : memref<2048x1024xf32, #tpu.memory_space<hbm>> -> memref<32x1024xf32, #tpu.memory_space<hbm>>
    tpu.wait_dma2 semaphore(%arg10 : memref<!tpu.dma_semaphore, #tpu.memory_space<semaphore_mem>>) src(%dma_wait3A_18 : memref<32x1024xf32, #tpu.memory_space<hbm>>) dst(%arg8 : memref<32x1024xf32, #tpu.memory_space<vmem>>)
    %run_scoped3A = arith.constant 0 : i32
    "tpu.region"() ({
      %run_scoped3A_26 = tpu.sem_alloc : memref<!tpu.dma_semaphore, #tpu.memory_space<semaphore_mem>>
      %dma_start3A_27 = arith.constant 0 : i32
      %dma_start3A_28 = tpu.memref_slice %arg6[%run_scoped3A, %dma_start3A_27] : memref<2x32xi32, #tpu.memory_space<vmem>> -> memref<1x32xi32, #tpu.memory_space<vmem>>
      %dma_start3A_29 = tpu.memref_squeeze %dma_start3A_28 : memref<1x32xi32, #tpu.memory_space<vmem>> -> memref<32xi32, #tpu.memory_space<vmem>>
      %dma_start3A_30 = arith.constant 0 : i32
      %dma_start3A_31 = arith.constant 0 : i32
      %dma_start3A_32 = tpu.memref_slice %arg5[%dma_start3A_30, %dma_start3A_31] : memref<6144x1024xf32, #tpu.memory_space<hbm>> -> memref<6144x1024xf32, #tpu.memory_space<hbm>>
      tpu.enqueue_indirect_dma source(%arg8 : memref<32x1024xf32, #tpu.memory_space<vmem>>) target(%dma_start3A_32 : memref<6144x1024xf32, #tpu.memory_space<hbm>>) offsets(%dma_start3A_29 : memref<32xi32, #tpu.memory_space<vmem>>) semaphore(%run_scoped3A_26 : memref<!tpu.dma_semaphore, #tpu.memory_space<semaphore_mem>>)
      %dma_wait3A_33 = arith.constant 0 : i32
      %dma_wait3A_34 = tpu.memref_slice %arg6[%run_scoped3A, %dma_wait3A_33] : memref<2x32xi32, #tpu.memory_space<vmem>> -> memref<1x32xi32, #tpu.memory_space<vmem>>
      %dma_wait3A_35 = tpu.memref_squeeze %dma_wait3A_34 : memref<1x32xi32, #tpu.memory_space<vmem>> -> memref<32xi32, #tpu.memory_space<vmem>>
      %dma_wait3A_36 = arith.constant 0 : i32
      %dma_wait3A_37 = arith.constant 0 : i32
      %dma_wait3A_38 = tpu.memref_slice %arg5[%dma_wait3A_36, %dma_wait3A_37] : memref<6144x1024xf32, #tpu.memory_space<hbm>> -> memref<6144x1024xf32, #tpu.memory_space<hbm>>
      tpu.wait_indirect_dma semaphore(%run_scoped3A_26 : memref<!tpu.dma_semaphore, #tpu.memory_space<semaphore_mem>>) src(%arg8 : memref<32x1024xf32, #tpu.memory_space<vmem>>) dst(%dma_wait3A_38 : memref<6144x1024xf32, #tpu.memory_space<hbm>>)
      tpu.yield
    }) : () -> ()
    %run_scoped3A_19 = arith.constant 0 : i32
    "tpu.region"() ({
      %run_scoped3A_26 = tpu.sem_alloc : memref<!tpu.dma_semaphore, #tpu.memory_space<semaphore_mem>>
      %dma_start3A_27 = arith.constant 0 : i32
      %dma_start3A_28 = tpu.memref_slice %arg7[%run_scoped3A_19, %dma_start3A_27] : memref<2x32xi32, #tpu.memory_space<vmem>> -> memref<1x32xi32, #tpu.memory_space<vmem>>
      %dma_start3A_29 = tpu.memref_squeeze %dma_start3A_28 : memref<1x32xi32, #tpu.memory_space<vmem>> -> memref<32xi32, #tpu.memory_space<vmem>>
      %dma_start3A_30 = arith.constant 0 : i32
      %dma_start3A_31 = arith.constant 0 : i32
      %dma_start3A_32 = tpu.memref_slice %arg5[%dma_start3A_30, %dma_start3A_31] : memref<6144x1024xf32, #tpu.memory_space<hbm>> -> memref<6144x1024xf32, #tpu.memory_space<hbm>>
      tpu.enqueue_indirect_dma source(%arg8 : memref<32x1024xf32, #tpu.memory_space<vmem>>) target(%dma_start3A_32 : memref<6144x1024xf32, #tpu.memory_space<hbm>>) offsets(%dma_start3A_29 : memref<32xi32, #tpu.memory_space<vmem>>) semaphore(%run_scoped3A_26 : memref<!tpu.dma_semaphore, #tpu.memory_space<semaphore_mem>>)
      %dma_wait3A_33 = arith.constant 0 : i32
      %dma_wait3A_34 = tpu.memref_slice %arg7[%run_scoped3A_19, %dma_wait3A_33] : memref<2x32xi32, #tpu.memory_space<vmem>> -> memref<1x32xi32, #tpu.memory_space<vmem>>
      %dma_wait3A_35 = tpu.memref_squeeze %dma_wait3A_34 : memref<1x32xi32, #tpu.memory_space<vmem>> -> memref<32xi32, #tpu.memory_space<vmem>>
      %dma_wait3A_36 = arith.constant 0 : i32
      %dma_wait3A_37 = arith.constant 0 : i32
      %dma_wait3A_38 = tpu.memref_slice %arg5[%dma_wait3A_36, %dma_wait3A_37] : memref<6144x1024xf32, #tpu.memory_space<hbm>> -> memref<6144x1024xf32, #tpu.memory_space<hbm>>
      tpu.wait_indirect_dma semaphore(%run_scoped3A_26 : memref<!tpu.dma_semaphore, #tpu.memory_space<semaphore_mem>>) src(%arg8 : memref<32x1024xf32, #tpu.memory_space<vmem>>) dst(%dma_wait3A_38 : memref<6144x1024xf32, #tpu.memory_space<hbm>>)
      tpu.yield
    }) : () -> ()
    %dma_wait3A_20 = arith.constant 0 : i32
    %dma_wait3A_21 = tpu.memref_slice %arg2[%add3A_11, %dma_wait3A_20] : memref<2048x1024xf32, #tpu.memory_space<hbm>> -> memref<32x1024xf32, #tpu.memory_space<hbm>>
    %dma_wait3A_22 = arith.constant 0 : i32
    %dma_wait3A_23 = tpu.memref_slice %arg2[%add3A_11, %dma_wait3A_22] : memref<2048x1024xf32, #tpu.memory_space<hbm>> -> memref<32x1024xf32, #tpu.memory_space<hbm>>
    tpu.wait_dma2 semaphore(%arg11 : memref<!tpu.dma_semaphore, #tpu.memory_space<semaphore_mem>>) src(%dma_wait3A_23 : memref<32x1024xf32, #tpu.memory_space<hbm>>) dst(%arg9 : memref<32x1024xf32, #tpu.memory_space<vmem>>)
    %run_scoped3A_24 = arith.constant 1 : i32
    "tpu.region"() ({
      %run_scoped3A_26 = tpu.sem_alloc : memref<!tpu.dma_semaphore, #tpu.memory_space<semaphore_mem>>
      %dma_start3A_27 = arith.constant 0 : i32
      %dma_start3A_28 = tpu.memref_slice %arg6[%run_scoped3A_24, %dma_start3A_27] : memref<2x32xi32, #tpu.memory_space<vmem>> -> memref<1x32xi32, #tpu.memory_space<vmem>>
      %dma_start3A_29 = tpu.memref_squeeze %dma_start3A_28 : memref<1x32xi32, #tpu.memory_space<vmem>> -> memref<32xi32, #tpu.memory_space<vmem>>
      %dma_start3A_30 = arith.constant 0 : i32
      %dma_start3A_31 = arith.constant 0 : i32
      %dma_start3A_32 = tpu.memref_slice %arg5[%dma_start3A_30, %dma_start3A_31] : memref<6144x1024xf32, #tpu.memory_space<hbm>> -> memref<6144x1024xf32, #tpu.memory_space<hbm>>
      tpu.enqueue_indirect_dma source(%arg9 : memref<32x1024xf32, #tpu.memory_space<vmem>>) target(%dma_start3A_32 : memref<6144x1024xf32, #tpu.memory_space<hbm>>) offsets(%dma_start3A_29 : memref<32xi32, #tpu.memory_space<vmem>>) semaphore(%run_scoped3A_26 : memref<!tpu.dma_semaphore, #tpu.memory_space<semaphore_mem>>)
      %dma_wait3A_33 = arith.constant 0 : i32
      %dma_wait3A_34 = tpu.memref_slice %arg6[%run_scoped3A_24, %dma_wait3A_33] : memref<2x32xi32, #tpu.memory_space<vmem>> -> memref<1x32xi32, #tpu.memory_space<vmem>>
      %dma_wait3A_35 = tpu.memref_squeeze %dma_wait3A_34 : memref<1x32xi32, #tpu.memory_space<vmem>> -> memref<32xi32, #tpu.memory_space<vmem>>
      %dma_wait3A_36 = arith.constant 0 : i32
      %dma_wait3A_37 = arith.constant 0 : i32
      %dma_wait3A_38 = tpu.memref_slice %arg5[%dma_wait3A_36, %dma_wait3A_37] : memref<6144x1024xf32, #tpu.memory_space<hbm>> -> memref<6144x1024xf32, #tpu.memory_space<hbm>>
      tpu.wait_indirect_dma semaphore(%run_scoped3A_26 : memref<!tpu.dma_semaphore, #tpu.memory_space<semaphore_mem>>) src(%arg9 : memref<32x1024xf32, #tpu.memory_space<vmem>>) dst(%dma_wait3A_38 : memref<6144x1024xf32, #tpu.memory_space<hbm>>)
      tpu.yield
    }) : () -> ()
    %run_scoped3A_25 = arith.constant 1 : i32
    "tpu.region"() ({
      %run_scoped3A_26 = tpu.sem_alloc : memref<!tpu.dma_semaphore, #tpu.memory_space<semaphore_mem>>
      %dma_start3A_27 = arith.constant 0 : i32
      %dma_start3A_28 = tpu.memref_slice %arg7[%run_scoped3A_25, %dma_start3A_27] : memref<2x32xi32, #tpu.memory_space<vmem>> -> memref<1x32xi32, #tpu.memory_space<vmem>>
      %dma_start3A_29 = tpu.memref_squeeze %dma_start3A_28 : memref<1x32xi32, #tpu.memory_space<vmem>> -> memref<32xi32, #tpu.memory_space<vmem>>
      %dma_start3A_30 = arith.constant 0 : i32
      %dma_start3A_31 = arith.constant 0 : i32
      %dma_start3A_32 = tpu.memref_slice %arg5[%dma_start3A_30, %dma_start3A_31] : memref<6144x1024xf32, #tpu.memory_space<hbm>> -> memref<6144x1024xf32, #tpu.memory_space<hbm>>
      tpu.enqueue_indirect_dma source(%arg9 : memref<32x1024xf32, #tpu.memory_space<vmem>>) target(%dma_start3A_32 : memref<6144x1024xf32, #tpu.memory_space<hbm>>) offsets(%dma_start3A_29 : memref<32xi32, #tpu.memory_space<vmem>>) semaphore(%run_scoped3A_26 : memref<!tpu.dma_semaphore, #tpu.memory_space<semaphore_mem>>)
      %dma_wait3A_33 = arith.constant 0 : i32
      %dma_wait3A_34 = tpu.memref_slice %arg7[%run_scoped3A_25, %dma_wait3A_33] : memref<2x32xi32, #tpu.memory_space<vmem>> -> memref<1x32xi32, #tpu.memory_space<vmem>>
      %dma_wait3A_35 = tpu.memref_squeeze %dma_wait3A_34 : memref<1x32xi32, #tpu.memory_space<vmem>> -> memref<32xi32, #tpu.memory_space<vmem>>
      %dma_wait3A_36 = arith.constant 0 : i32
      %dma_wait3A_37 = arith.constant 0 : i32
      %dma_wait3A_38 = tpu.memref_slice %arg5[%dma_wait3A_36, %dma_wait3A_37] : memref<6144x1024xf32, #tpu.memory_space<hbm>> -> memref<6144x1024xf32, #tpu.memory_space<hbm>>
      tpu.wait_indirect_dma semaphore(%run_scoped3A_26 : memref<!tpu.dma_semaphore, #tpu.memory_space<semaphore_mem>>) src(%arg9 : memref<32x1024xf32, #tpu.memory_space<vmem>>) dst(%dma_wait3A_38 : memref<6144x1024xf32, #tpu.memory_space<hbm>>)
      tpu.yield
    }) : () -> ()
    return
  }
}

module attributes {stable_mosaic.version = 14 : i64} {
  func.func @_router_kernel(%arg0: memref<2048x1024xf32, #tpu.memory_space<vmem>>, %arg1: memref<8x1024xf32, #tpu.memory_space<vmem>>, %arg2: memref<2048x2xi32, #tpu.memory_space<vmem>>, %arg3: memref<2048x2xf32, #tpu.memory_space<vmem>>) attributes {dimension_semantics = [], scalar_prefetch = 0 : i64, scratch_operands = 0 : i64, tpu.core_type = #tpu.core_type<tc>} {
    %get3A = arith.constant 0 : index
    %get3A_0 = arith.constant 0 : index
    %get3A_1 = vector.load %arg0[%get3A, %get3A_0] : memref<2048x1024xf32, #tpu.memory_space<vmem>>, vector<2048x1024xf32>
    %get3A_2 = arith.constant 0 : index
    %get3A_3 = arith.constant 0 : index
    %get3A_4 = vector.load %arg1[%get3A_2, %get3A_3] : memref<8x1024xf32, #tpu.memory_space<vmem>>, vector<8x1024xf32>
    %dot_general3A = arith.constant dense<0.000000e+00> : vector<2048x8xf32>
    %dot_general3A_5 = tpu.matmul %get3A_1, %get3A_4, %dot_general3A {dimension_numbers = #tpu.dot_dimension_numbers<[1], [1], [0], [0], [0, 0, 1, 0], [], []>, transpose_lhs_hint = false} : vector<2048x1024xf32>, vector<8x1024xf32>, vector<2048x8xf32> -> vector<2048x8xf32>
    %reduce_max3A = arith.constant dense<0xFF800000> : vector<2048xf32>
    %reduce_max3A_6 = vector.multi_reduction <maximumf>, %dot_general3A_5, %reduce_max3A [1] : vector<2048x8xf32> to vector<2048xf32>
    %max3A = arith.constant 0xFF800000 : f32
    %max3A_7 = vector.broadcast %max3A : f32 to vector<2048xf32>
    %max3A_8 = arith.maximumf %max3A_7, %reduce_max3A_6 : vector<2048xf32>
    %broadcast_in_dim3A = vector.shape_cast %max3A_8 : vector<2048xf32> to vector<2048x1xf32>
    %sub3A = vector.broadcast %broadcast_in_dim3A : vector<2048x1xf32> to vector<2048x8xf32>
    %sub3A_9 = arith.subf %dot_general3A_5, %sub3A : vector<2048x8xf32>
    %exp3A = math.exp %sub3A_9 : vector<2048x8xf32>
    %reduce_sum3A = arith.constant dense<0.000000e+00> : vector<2048xf32>
    %reduce_sum3A_10 = vector.multi_reduction <add>, %exp3A, %reduce_sum3A [1] : vector<2048x8xf32> to vector<2048xf32>
    %broadcast_in_dim3A_11 = vector.shape_cast %reduce_sum3A_10 : vector<2048xf32> to vector<2048x1xf32>
    %div3A = vector.broadcast %broadcast_in_dim3A_11 : vector<2048x1xf32> to vector<2048x8xf32>
    %div3A_12 = arith.divf %exp3A, %div3A : vector<2048x8xf32>
    %iota3A = tpu.iota {dimensions = array<i32: 1>} : vector<2048x8xi32>
    %reduce_max3A_13 = arith.constant dense<0xFF800000> : vector<2048xf32>
    %reduce_max3A_14 = vector.multi_reduction <maximumf>, %div3A_12, %reduce_max3A_13 [1] : vector<2048x8xf32> to vector<2048xf32>
    %broadcast_in_dim3A_15 = vector.shape_cast %reduce_max3A_14 : vector<2048xf32> to vector<2048x1xf32>
    %eq3A = vector.broadcast %broadcast_in_dim3A_15 : vector<2048x1xf32> to vector<2048x8xf32>
    %eq3A_16 = arith.cmpf oeq, %div3A_12, %eq3A : vector<2048x8xf32>
    %jit3A = arith.constant 8 : i32
    %broadcast_in_dim3A_17 = vector.broadcast %jit3A : i32 to vector<2048x8xi32>
    %select_n3A = arith.select %eq3A_16, %iota3A, %broadcast_in_dim3A_17 : vector<2048x8xi1>, vector<2048x8xi32>
    %reduce_min3A = arith.constant dense<2147483647> : vector<2048xi32>
    %reduce_min3A_18 = vector.multi_reduction <minsi>, %select_n3A, %reduce_min3A [1] : vector<2048x8xi32> to vector<2048xi32>
    %broadcast_in_dim3A_19 = vector.shape_cast %reduce_min3A_18 : vector<2048xi32> to vector<2048x1xi32>
    %eq3A_20 = vector.broadcast %broadcast_in_dim3A_19 : vector<2048x1xi32> to vector<2048x8xi32>
    %eq3A_21 = arith.cmpi eq, %iota3A, %eq3A_20 : vector<2048x8xi32>
    %jit3A_22 = arith.constant 0xFF800000 : f32
    %broadcast_in_dim3A_23 = vector.broadcast %jit3A_22 : f32 to vector<2048x8xf32>
    %select_n3A_24 = arith.select %eq3A_21, %broadcast_in_dim3A_23, %div3A_12 : vector<2048x8xi1>, vector<2048x8xf32>
    %reduce_max3A_25 = arith.constant dense<0xFF800000> : vector<2048xf32>
    %reduce_max3A_26 = vector.multi_reduction <maximumf>, %select_n3A_24, %reduce_max3A_25 [1] : vector<2048x8xf32> to vector<2048xf32>
    %broadcast_in_dim3A_27 = vector.shape_cast %reduce_max3A_26 : vector<2048xf32> to vector<2048x1xf32>
    %eq3A_28 = vector.broadcast %broadcast_in_dim3A_27 : vector<2048x1xf32> to vector<2048x8xf32>
    %eq3A_29 = arith.cmpf oeq, %select_n3A_24, %eq3A_28 : vector<2048x8xf32>
    %jit3A_30 = arith.constant 8 : i32
    %broadcast_in_dim3A_31 = vector.broadcast %jit3A_30 : i32 to vector<2048x8xi32>
    %select_n3A_32 = arith.select %eq3A_29, %iota3A, %broadcast_in_dim3A_31 : vector<2048x8xi1>, vector<2048x8xi32>
    %reduce_min3A_33 = arith.constant dense<2147483647> : vector<2048xi32>
    %reduce_min3A_34 = vector.multi_reduction <minsi>, %select_n3A_32, %reduce_min3A_33 [1] : vector<2048x8xi32> to vector<2048xi32>
    %broadcast_in_dim3A_35 = vector.shape_cast %reduce_min3A_34 : vector<2048xi32> to vector<2048x1xi32>
    %add3A = arith.addf %broadcast_in_dim3A_15, %broadcast_in_dim3A_27 : vector<2048x1xf32>
    %concatenate3A = tpu.concatenate %broadcast_in_dim3A_19, %broadcast_in_dim3A_35 in 1 : vector<2048x1xi32>, vector<2048x1xi32> -> vector<2048x2xi32>
    %swap3A = arith.constant 0 : index
    %swap3A_36 = arith.constant 0 : index
    %swap3A_37 = vector.load %arg2[%swap3A, %swap3A_36] : memref<2048x2xi32, #tpu.memory_space<vmem>>, vector<2048x2xi32>
    tpu.vector_store %arg2[%swap3A, %swap3A_36], %concatenate3A {strides = array<i32>} : memref<2048x2xi32, #tpu.memory_space<vmem>>, vector<2048x2xi32>,
    %div3A_38 = arith.divf %broadcast_in_dim3A_15, %add3A : vector<2048x1xf32>
    %div3A_39 = arith.divf %broadcast_in_dim3A_27, %add3A : vector<2048x1xf32>
    %concatenate3A_40 = tpu.concatenate %div3A_38, %div3A_39 in 1 : vector<2048x1xf32>, vector<2048x1xf32> -> vector<2048x2xf32>
    %swap3A_41 = arith.constant 0 : index
    %swap3A_42 = arith.constant 0 : index
    %swap3A_43 = vector.load %arg3[%swap3A_41, %swap3A_42] : memref<2048x2xf32, #tpu.memory_space<vmem>>, vector<2048x2xf32>
    tpu.vector_store %arg3[%swap3A_41, %swap3A_42], %concatenate3A_40 {strides = array<i32>} : memref<2048x2xf32, #tpu.memory_space<vmem>>, vector<2048x2xf32>,
    return
  }
}

module attributes {stable_mosaic.version = 14 : i64} {
  func.func @_gmm_kernel(%arg0: i32, %arg1: memref<24xi32, #tpu.memory_space<smem>>, %arg2: memref<1xi32, #tpu.memory_space<smem>>, %arg3: memref<24xi32, #tpu.memory_space<smem>>, %arg4: memref<24xi32, #tpu.memory_space<smem>>, %arg5: memref<24xi32, #tpu.memory_space<smem>>, %arg6: memref<256x1024xf32, #tpu.memory_space<vmem>>, %arg7: memref<8x768x1024xf32, #tpu.memory_space<any>>, %arg8: memref<8x768x1024xf32, #tpu.memory_space<any>>, %arg9: memref<8x1024x768xf32, #tpu.memory_space<any>>, %arg10: memref<256x1024xf32, #tpu.memory_space<vmem>>, %arg11: memref<2x768x1024xf32, #tpu.memory_space<vmem>>, %arg12: memref<2x768x1024xf32, #tpu.memory_space<vmem>>, %arg13: memref<2x1024x768xf32, #tpu.memory_space<vmem>>, %arg14: memref<2x!tpu.dma_semaphore, #tpu.memory_space<semaphore_mem>>) attributes {dimension_semantics = [#tpu.dimension_semantics<arbitrary>], iteration_bounds = array<i64: 24>, scalar_prefetch = 5 : i64, scratch_operands = 4 : i64, tpu.core_type = #tpu.core_type<tc>, window_params = [{transform_indices = @transform_0, window_bounds = array<i64: 256, 1024>}, {}, {}, {}, {transform_indices = @transform_4, window_bounds = array<i64: 256, 1024>}]} {
    %get3A = arith.constant 0 : index
    %get3A_0 = memref.load %arg2[%get3A] : memref<1xi32, #tpu.memory_space<smem>>
    %lt3A = arith.cmpi slt, %arg0, %get3A_0 : i32
    %convert_element_type3A = arith.extui %lt3A : i1 to i32
    %cond3A = arith.constant 0 : i32
    %cond3A_1 = arith.cmpi ne, %convert_element_type3A, %cond3A : i32
    scf.if %cond3A_1 {
      %get3A_2 = arith.index_cast %arg0 : i32 to index
      %get3A_3 = memref.load %arg1[%get3A_2] : memref<24xi32, #tpu.memory_space<smem>>
      %get3A_4 = arith.index_cast %arg0 : i32 to index
      %get3A_5 = memref.load %arg4[%get3A_4] : memref<24xi32, #tpu.memory_space<smem>>
      %eq3A = arith.constant 0 : i32
      %eq3A_6 = arith.cmpi eq, %arg0, %eq3A : i32
      %convert_element_type3A_7 = arith.extui %eq3A_6 : i1 to i32
      %cond3A_8 = arith.constant 0 : i32
      %cond3A_9 = arith.cmpi ne, %convert_element_type3A_7, %cond3A_8 : i32
      scf.if %cond3A_9 {
        %dma_start3A = tpu.memref_slice %arg14[%get3A_5] : memref<2x!tpu.dma_semaphore, #tpu.memory_space<semaphore_mem>> -> memref<1x!tpu.dma_semaphore, #tpu.memory_space<semaphore_mem>>
        %dma_start3A_48 = tpu.memref_squeeze %dma_start3A : memref<1x!tpu.dma_semaphore, #tpu.memory_space<semaphore_mem>> -> memref<!tpu.dma_semaphore, #tpu.memory_space<semaphore_mem>>
        %dma_start3A_49 = arith.constant 0 : i32
        %dma_start3A_50 = arith.constant 0 : i32
        %dma_start3A_51 = tpu.memref_slice %arg11[%get3A_5, %dma_start3A_49, %dma_start3A_50] : memref<2x768x1024xf32, #tpu.memory_space<vmem>> -> memref<1x768x1024xf32, #tpu.memory_space<vmem>>
        %dma_start3A_52 = tpu.memref_squeeze %dma_start3A_51 : memref<1x768x1024xf32, #tpu.memory_space<vmem>> -> memref<768x1024xf32, #tpu.memory_space<vmem>>
        %dma_start3A_53 = arith.constant 0 : i32
        %dma_start3A_54 = arith.constant 0 : i32
        %dma_start3A_55 = tpu.memref_slice %arg7[%get3A_3, %dma_start3A_53, %dma_start3A_54] : memref<8x768x1024xf32, #tpu.memory_space<any>> -> memref<1x768x1024xf32, #tpu.memory_space<any>>
        %dma_start3A_56 = tpu.memref_squeeze %dma_start3A_55 : memref<1x768x1024xf32, #tpu.memory_space<any>> -> memref<768x1024xf32, #tpu.memory_space<any>>
        tpu.enqueue_dma source(%dma_start3A_56 : memref<768x1024xf32, #tpu.memory_space<any>>) target(%dma_start3A_52 : memref<768x1024xf32, #tpu.memory_space<vmem>>) target_semaphore(%dma_start3A_48 : memref<!tpu.dma_semaphore, #tpu.memory_space<semaphore_mem>>)
        %dma_start3A_57 = tpu.memref_slice %arg14[%get3A_5] : memref<2x!tpu.dma_semaphore, #tpu.memory_space<semaphore_mem>> -> memref<1x!tpu.dma_semaphore, #tpu.memory_space<semaphore_mem>>
        %dma_start3A_58 = tpu.memref_squeeze %dma_start3A_57 : memref<1x!tpu.dma_semaphore, #tpu.memory_space<semaphore_mem>> -> memref<!tpu.dma_semaphore, #tpu.memory_space<semaphore_mem>>
        %dma_start3A_59 = arith.constant 0 : i32
        %dma_start3A_60 = arith.constant 0 : i32
        %dma_start3A_61 = tpu.memref_slice %arg12[%get3A_5, %dma_start3A_59, %dma_start3A_60] : memref<2x768x1024xf32, #tpu.memory_space<vmem>> -> memref<1x768x1024xf32, #tpu.memory_space<vmem>>
        %dma_start3A_62 = tpu.memref_squeeze %dma_start3A_61 : memref<1x768x1024xf32, #tpu.memory_space<vmem>> -> memref<768x1024xf32, #tpu.memory_space<vmem>>
        %dma_start3A_63 = arith.constant 0 : i32
        %dma_start3A_64 = arith.constant 0 : i32
        %dma_start3A_65 = tpu.memref_slice %arg8[%get3A_3, %dma_start3A_63, %dma_start3A_64] : memref<8x768x1024xf32, #tpu.memory_space<any>> -> memref<1x768x1024xf32, #tpu.memory_space<any>>
        %dma_start3A_66 = tpu.memref_squeeze %dma_start3A_65 : memref<1x768x1024xf32, #tpu.memory_space<any>> -> memref<768x1024xf32, #tpu.memory_space<any>>
        tpu.enqueue_dma source(%dma_start3A_66 : memref<768x1024xf32, #tpu.memory_space<any>>) target(%dma_start3A_62 : memref<768x1024xf32, #tpu.memory_space<vmem>>) target_semaphore(%dma_start3A_58 : memref<!tpu.dma_semaphore, #tpu.memory_space<semaphore_mem>>)
        %dma_start3A_67 = tpu.memref_slice %arg14[%get3A_5] : memref<2x!tpu.dma_semaphore, #tpu.memory_space<semaphore_mem>> -> memref<1x!tpu.dma_semaphore, #tpu.memory_space<semaphore_mem>>
        %dma_start3A_68 = tpu.memref_squeeze %dma_start3A_67 : memref<1x!tpu.dma_semaphore, #tpu.memory_space<semaphore_mem>> -> memref<!tpu.dma_semaphore, #tpu.memory_space<semaphore_mem>>
        %dma_start3A_69 = arith.constant 0 : i32
        %dma_start3A_70 = arith.constant 0 : i32
        %dma_start3A_71 = tpu.memref_slice %arg13[%get3A_5, %dma_start3A_69, %dma_start3A_70] : memref<2x1024x768xf32, #tpu.memory_space<vmem>> -> memref<1x1024x768xf32, #tpu.memory_space<vmem>>
        %dma_start3A_72 = tpu.memref_squeeze %dma_start3A_71 : memref<1x1024x768xf32, #tpu.memory_space<vmem>> -> memref<1024x768xf32, #tpu.memory_space<vmem>>
        %dma_start3A_73 = arith.constant 0 : i32
        %dma_start3A_74 = arith.constant 0 : i32
        %dma_start3A_75 = tpu.memref_slice %arg9[%get3A_3, %dma_start3A_73, %dma_start3A_74] : memref<8x1024x768xf32, #tpu.memory_space<any>> -> memref<1x1024x768xf32, #tpu.memory_space<any>>
        %dma_start3A_76 = tpu.memref_squeeze %dma_start3A_75 : memref<1x1024x768xf32, #tpu.memory_space<any>> -> memref<1024x768xf32, #tpu.memory_space<any>>
        tpu.enqueue_dma source(%dma_start3A_76 : memref<1024x768xf32, #tpu.memory_space<any>>) target(%dma_start3A_72 : memref<1024x768xf32, #tpu.memory_space<vmem>>) target_semaphore(%dma_start3A_68 : memref<!tpu.dma_semaphore, #tpu.memory_space<semaphore_mem>>)
      } else {
      }
      %get3A_10 = arith.index_cast %arg0 : i32 to index
      %get3A_11 = memref.load %arg3[%get3A_10] : memref<24xi32, #tpu.memory_space<smem>>
      %eq3A_12 = arith.constant 1 : i32
      %eq3A_13 = arith.cmpi eq, %get3A_11, %eq3A_12 : i32
      %convert_element_type3A_14 = arith.extui %eq3A_13 : i1 to i32
      %cond3A_15 = arith.constant 0 : i32
      %cond3A_16 = arith.cmpi ne, %convert_element_type3A_14, %cond3A_15 : i32
      scf.if %cond3A_16 {
        %dma_wait3A = tpu.memref_slice %arg14[%get3A_5] : memref<2x!tpu.dma_semaphore, #tpu.memory_space<semaphore_mem>> -> memref<1x!tpu.dma_semaphore, #tpu.memory_space<semaphore_mem>>
        %dma_wait3A_48 = tpu.memref_squeeze %dma_wait3A : memref<1x!tpu.dma_semaphore, #tpu.memory_space<semaphore_mem>> -> memref<!tpu.dma_semaphore, #tpu.memory_space<semaphore_mem>>
        %dma_wait3A_49 = arith.constant 0 : i32
        %dma_wait3A_50 = arith.constant 0 : i32
        %dma_wait3A_51 = tpu.memref_slice %arg11[%get3A_5, %dma_wait3A_49, %dma_wait3A_50] : memref<2x768x1024xf32, #tpu.memory_space<vmem>> -> memref<1x768x1024xf32, #tpu.memory_space<vmem>>
        %dma_wait3A_52 = tpu.memref_squeeze %dma_wait3A_51 : memref<1x768x1024xf32, #tpu.memory_space<vmem>> -> memref<768x1024xf32, #tpu.memory_space<vmem>>
        %dma_wait3A_53 = arith.constant 0 : i32
        %dma_wait3A_54 = arith.constant 0 : i32
        %dma_wait3A_55 = tpu.memref_slice %arg7[%get3A_3, %dma_wait3A_53, %dma_wait3A_54] : memref<8x768x1024xf32, #tpu.memory_space<any>> -> memref<1x768x1024xf32, #tpu.memory_space<any>>
        %dma_wait3A_56 = tpu.memref_squeeze %dma_wait3A_55 : memref<1x768x1024xf32, #tpu.memory_space<any>> -> memref<768x1024xf32, #tpu.memory_space<any>>
        tpu.wait_dma2 semaphore(%dma_wait3A_48 : memref<!tpu.dma_semaphore, #tpu.memory_space<semaphore_mem>>) src(%dma_wait3A_56 : memref<768x1024xf32, #tpu.memory_space<any>>) dst(%dma_wait3A_52 : memref<768x1024xf32, #tpu.memory_space<vmem>>)
        %dma_wait3A_57 = tpu.memref_slice %arg14[%get3A_5] : memref<2x!tpu.dma_semaphore, #tpu.memory_space<semaphore_mem>> -> memref<1x!tpu.dma_semaphore, #tpu.memory_space<semaphore_mem>>
        %dma_wait3A_58 = tpu.memref_squeeze %dma_wait3A_57 : memref<1x!tpu.dma_semaphore, #tpu.memory_space<semaphore_mem>> -> memref<!tpu.dma_semaphore, #tpu.memory_space<semaphore_mem>>
        %dma_wait3A_59 = arith.constant 0 : i32
        %dma_wait3A_60 = arith.constant 0 : i32
        %dma_wait3A_61 = tpu.memref_slice %arg12[%get3A_5, %dma_wait3A_59, %dma_wait3A_60] : memref<2x768x1024xf32, #tpu.memory_space<vmem>> -> memref<1x768x1024xf32, #tpu.memory_space<vmem>>
        %dma_wait3A_62 = tpu.memref_squeeze %dma_wait3A_61 : memref<1x768x1024xf32, #tpu.memory_space<vmem>> -> memref<768x1024xf32, #tpu.memory_space<vmem>>
        %dma_wait3A_63 = arith.constant 0 : i32
        %dma_wait3A_64 = arith.constant 0 : i32
        %dma_wait3A_65 = tpu.memref_slice %arg8[%get3A_3, %dma_wait3A_63, %dma_wait3A_64] : memref<8x768x1024xf32, #tpu.memory_space<any>> -> memref<1x768x1024xf32, #tpu.memory_space<any>>
        %dma_wait3A_66 = tpu.memref_squeeze %dma_wait3A_65 : memref<1x768x1024xf32, #tpu.memory_space<any>> -> memref<768x1024xf32, #tpu.memory_space<any>>
        tpu.wait_dma2 semaphore(%dma_wait3A_58 : memref<!tpu.dma_semaphore, #tpu.memory_space<semaphore_mem>>) src(%dma_wait3A_66 : memref<768x1024xf32, #tpu.memory_space<any>>) dst(%dma_wait3A_62 : memref<768x1024xf32, #tpu.memory_space<vmem>>)
        %dma_wait3A_67 = tpu.memref_slice %arg14[%get3A_5] : memref<2x!tpu.dma_semaphore, #tpu.memory_space<semaphore_mem>> -> memref<1x!tpu.dma_semaphore, #tpu.memory_space<semaphore_mem>>
        %dma_wait3A_68 = tpu.memref_squeeze %dma_wait3A_67 : memref<1x!tpu.dma_semaphore, #tpu.memory_space<semaphore_mem>> -> memref<!tpu.dma_semaphore, #tpu.memory_space<semaphore_mem>>
        %dma_wait3A_69 = arith.constant 0 : i32
        %dma_wait3A_70 = arith.constant 0 : i32
        %dma_wait3A_71 = tpu.memref_slice %arg13[%get3A_5, %dma_wait3A_69, %dma_wait3A_70] : memref<2x1024x768xf32, #tpu.memory_space<vmem>> -> memref<1x1024x768xf32, #tpu.memory_space<vmem>>
        %dma_wait3A_72 = tpu.memref_squeeze %dma_wait3A_71 : memref<1x1024x768xf32, #tpu.memory_space<vmem>> -> memref<1024x768xf32, #tpu.memory_space<vmem>>
        %dma_wait3A_73 = arith.constant 0 : i32
        %dma_wait3A_74 = arith.constant 0 : i32
        %dma_wait3A_75 = tpu.memref_slice %arg9[%get3A_3, %dma_wait3A_73, %dma_wait3A_74] : memref<8x1024x768xf32, #tpu.memory_space<any>> -> memref<1x1024x768xf32, #tpu.memory_space<any>>
        %dma_wait3A_76 = tpu.memref_squeeze %dma_wait3A_75 : memref<1x1024x768xf32, #tpu.memory_space<any>> -> memref<1024x768xf32, #tpu.memory_space<any>>
        tpu.wait_dma2 semaphore(%dma_wait3A_68 : memref<!tpu.dma_semaphore, #tpu.memory_space<semaphore_mem>>) src(%dma_wait3A_76 : memref<1024x768xf32, #tpu.memory_space<any>>) dst(%dma_wait3A_72 : memref<1024x768xf32, #tpu.memory_space<vmem>>)
        %get3A_77 = arith.index_cast %arg0 : i32 to index
        %get3A_78 = memref.load %arg5[%get3A_77] : memref<24xi32, #tpu.memory_space<smem>>
        %ge3A = arith.constant 0 : i32
        %ge3A_79 = arith.cmpi sge, %get3A_78, %ge3A : i32
        %convert_element_type3A_80 = arith.extui %ge3A_79 : i1 to i32
        %cond3A_81 = arith.constant 0 : i32
        %cond3A_82 = arith.cmpi ne, %convert_element_type3A_80, %cond3A_81 : i32
        scf.if %cond3A_82 {
          %sub3A = arith.constant 1 : i32
          %sub3A_83 = arith.subi %sub3A, %get3A_5 : i32
          %dma_start3A = tpu.memref_slice %arg14[%sub3A_83] : memref<2x!tpu.dma_semaphore, #tpu.memory_space<semaphore_mem>> -> memref<1x!tpu.dma_semaphore, #tpu.memory_space<semaphore_mem>>
          %dma_start3A_84 = tpu.memref_squeeze %dma_start3A : memref<1x!tpu.dma_semaphore, #tpu.memory_space<semaphore_mem>> -> memref<!tpu.dma_semaphore, #tpu.memory_space<semaphore_mem>>
          %dma_start3A_85 = arith.constant 0 : i32
          %dma_start3A_86 = arith.constant 0 : i32
          %dma_start3A_87 = tpu.memref_slice %arg11[%sub3A_83, %dma_start3A_85, %dma_start3A_86] : memref<2x768x1024xf32, #tpu.memory_space<vmem>> -> memref<1x768x1024xf32, #tpu.memory_space<vmem>>
          %dma_start3A_88 = tpu.memref_squeeze %dma_start3A_87 : memref<1x768x1024xf32, #tpu.memory_space<vmem>> -> memref<768x1024xf32, #tpu.memory_space<vmem>>
          %dma_start3A_89 = arith.constant 0 : i32
          %dma_start3A_90 = arith.constant 0 : i32
          %dma_start3A_91 = tpu.memref_slice %arg7[%get3A_78, %dma_start3A_89, %dma_start3A_90] : memref<8x768x1024xf32, #tpu.memory_space<any>> -> memref<1x768x1024xf32, #tpu.memory_space<any>>
          %dma_start3A_92 = tpu.memref_squeeze %dma_start3A_91 : memref<1x768x1024xf32, #tpu.memory_space<any>> -> memref<768x1024xf32, #tpu.memory_space<any>>
          tpu.enqueue_dma source(%dma_start3A_92 : memref<768x1024xf32, #tpu.memory_space<any>>) target(%dma_start3A_88 : memref<768x1024xf32, #tpu.memory_space<vmem>>) target_semaphore(%dma_start3A_84 : memref<!tpu.dma_semaphore, #tpu.memory_space<semaphore_mem>>)
          %dma_start3A_93 = tpu.memref_slice %arg14[%sub3A_83] : memref<2x!tpu.dma_semaphore, #tpu.memory_space<semaphore_mem>> -> memref<1x!tpu.dma_semaphore, #tpu.memory_space<semaphore_mem>>
          %dma_start3A_94 = tpu.memref_squeeze %dma_start3A_93 : memref<1x!tpu.dma_semaphore, #tpu.memory_space<semaphore_mem>> -> memref<!tpu.dma_semaphore, #tpu.memory_space<semaphore_mem>>
          %dma_start3A_95 = arith.constant 0 : i32
          %dma_start3A_96 = arith.constant 0 : i32
          %dma_start3A_97 = tpu.memref_slice %arg12[%sub3A_83, %dma_start3A_95, %dma_start3A_96] : memref<2x768x1024xf32, #tpu.memory_space<vmem>> -> memref<1x768x1024xf32, #tpu.memory_space<vmem>>
          %dma_start3A_98 = tpu.memref_squeeze %dma_start3A_97 : memref<1x768x1024xf32, #tpu.memory_space<vmem>> -> memref<768x1024xf32, #tpu.memory_space<vmem>>
          %dma_start3A_99 = arith.constant 0 : i32
          %dma_start3A_100 = arith.constant 0 : i32
          %dma_start3A_101 = tpu.memref_slice %arg8[%get3A_78, %dma_start3A_99, %dma_start3A_100] : memref<8x768x1024xf32, #tpu.memory_space<any>> -> memref<1x768x1024xf32, #tpu.memory_space<any>>
          %dma_start3A_102 = tpu.memref_squeeze %dma_start3A_101 : memref<1x768x1024xf32, #tpu.memory_space<any>> -> memref<768x1024xf32, #tpu.memory_space<any>>
          tpu.enqueue_dma source(%dma_start3A_102 : memref<768x1024xf32, #tpu.memory_space<any>>) target(%dma_start3A_98 : memref<768x1024xf32, #tpu.memory_space<vmem>>) target_semaphore(%dma_start3A_94 : memref<!tpu.dma_semaphore, #tpu.memory_space<semaphore_mem>>)
          %dma_start3A_103 = tpu.memref_slice %arg14[%sub3A_83] : memref<2x!tpu.dma_semaphore, #tpu.memory_space<semaphore_mem>> -> memref<1x!tpu.dma_semaphore, #tpu.memory_space<semaphore_mem>>
          %dma_start3A_104 = tpu.memref_squeeze %dma_start3A_103 : memref<1x!tpu.dma_semaphore, #tpu.memory_space<semaphore_mem>> -> memref<!tpu.dma_semaphore, #tpu.memory_space<semaphore_mem>>
          %dma_start3A_105 = arith.constant 0 : i32
          %dma_start3A_106 = arith.constant 0 : i32
          %dma_start3A_107 = tpu.memref_slice %arg13[%sub3A_83, %dma_start3A_105, %dma_start3A_106] : memref<2x1024x768xf32, #tpu.memory_space<vmem>> -> memref<1x1024x768xf32, #tpu.memory_space<vmem>>
          %dma_start3A_108 = tpu.memref_squeeze %dma_start3A_107 : memref<1x1024x768xf32, #tpu.memory_space<vmem>> -> memref<1024x768xf32, #tpu.memory_space<vmem>>
          %dma_start3A_109 = arith.constant 0 : i32
          %dma_start3A_110 = arith.constant 0 : i32
          %dma_start3A_111 = tpu.memref_slice %arg9[%get3A_78, %dma_start3A_109, %dma_start3A_110] : memref<8x1024x768xf32, #tpu.memory_space<any>> -> memref<1x1024x768xf32, #tpu.memory_space<any>>
          %dma_start3A_112 = tpu.memref_squeeze %dma_start3A_111 : memref<1x1024x768xf32, #tpu.memory_space<any>> -> memref<1024x768xf32, #tpu.memory_space<any>>
          tpu.enqueue_dma source(%dma_start3A_112 : memref<1024x768xf32, #tpu.memory_space<any>>) target(%dma_start3A_108 : memref<1024x768xf32, #tpu.memory_space<vmem>>) target_semaphore(%dma_start3A_104 : memref<!tpu.dma_semaphore, #tpu.memory_space<semaphore_mem>>)
        } else {
        }
      } else {
      }
      %get3A_17 = arith.constant 0 : index
      %get3A_18 = arith.constant 0 : index
      %get3A_19 = vector.load %arg6[%get3A_17, %get3A_18] : memref<256x1024xf32, #tpu.memory_space<vmem>>, vector<256x1024xf32>
      %get3A_20 = arith.index_cast %get3A_5 : i32 to index
      %get3A_21 = arith.constant 0 : index
      %get3A_22 = arith.constant 0 : index
      %get3A_23 = vector.load %arg11[%get3A_20, %get3A_21, %get3A_22] : memref<2x768x1024xf32, #tpu.memory_space<vmem>>, vector<1x768x1024xf32>
      %get3A_24 = vector.shape_cast %get3A_23 : vector<1x768x1024xf32> to vector<768x1024xf32>
      %dot_general3A = arith.constant dense<0.000000e+00> : vector<256x768xf32>
      %dot_general3A_25 = tpu.matmul %get3A_19, %get3A_24, %dot_general3A {dimension_numbers = #tpu.dot_dimension_numbers<[1], [1], [0], [0], [0, 0, 1, 0], [], []>, transpose_lhs_hint = false} : vector<256x1024xf32>, vector<768x1024xf32>, vector<256x768xf32> -> vector<256x768xf32>
      %get3A_26 = arith.index_cast %get3A_5 : i32 to index
      %get3A_27 = arith.constant 0 : index
      %get3A_28 = arith.constant 0 : index
      %get3A_29 = vector.load %arg12[%get3A_26, %get3A_27, %get3A_28] : memref<2x768x1024xf32, #tpu.memory_space<vmem>>, vector<1x768x1024xf32>
      %get3A_30 = vector.shape_cast %get3A_29 : vector<1x768x1024xf32> to vector<768x1024xf32>
      %dot_general3A_31 = arith.constant dense<0.000000e+00> : vector<256x768xf32>
      %dot_general3A_32 = tpu.matmul %get3A_19, %get3A_30, %dot_general3A_31 {dimension_numbers = #tpu.dot_dimension_numbers<[1], [1], [0], [0], [0, 0, 1, 0], [], []>, transpose_lhs_hint = false} : vector<256x1024xf32>, vector<768x1024xf32>, vector<256x768xf32> -> vector<256x768xf32>
      %logistic3A = arith.negf %dot_general3A_25 : vector<256x768xf32>
      %logistic3A_33 = math.exp %logistic3A : vector<256x768xf32>
      %logistic3A_34 = arith.constant 1.000000e+00 : f32
      %logistic3A_35 = vector.broadcast %logistic3A_34 : f32 to vector<256x768xf32>
      %logistic3A_36 = arith.addf %logistic3A_35, %logistic3A_33 : vector<256x768xf32>
      %logistic3A_37 = arith.divf %logistic3A_35, %logistic3A_36 : vector<256x768xf32>
      %mul3A = arith.mulf %dot_general3A_25, %logistic3A_37 : vector<256x768xf32>
      %mul3A_38 = arith.mulf %mul3A, %dot_general3A_32 : vector<256x768xf32>
      %get3A_39 = arith.index_cast %get3A_5 : i32 to index
      %get3A_40 = arith.constant 0 : index
      %get3A_41 = arith.constant 0 : index
      %get3A_42 = vector.load %arg13[%get3A_39, %get3A_40, %get3A_41] : memref<2x1024x768xf32, #tpu.memory_space<vmem>>, vector<1x1024x768xf32>
      %get3A_43 = vector.shape_cast %get3A_42 : vector<1x1024x768xf32> to vector<1024x768xf32>
      %dot_general3A_44 = arith.constant dense<0.000000e+00> : vector<256x1024xf32>
      %dot_general3A_45 = tpu.matmul %mul3A_38, %get3A_43, %dot_general3A_44 {dimension_numbers = #tpu.dot_dimension_numbers<[1], [1], [0], [0], [0, 0, 1, 0], [], []>, transpose_lhs_hint = false} : vector<256x768xf32>, vector<1024x768xf32>, vector<256x1024xf32> -> vector<256x1024xf32>
      %swap3A = arith.constant 0 : index
      %swap3A_46 = arith.constant 0 : index
      %swap3A_47 = vector.load %arg10[%swap3A, %swap3A_46] : memref<256x1024xf32, #tpu.memory_space<vmem>>, vector<256x1024xf32>
      tpu.vector_store %arg10[%swap3A, %swap3A_46], %dot_general3A_45 {strides = array<i32>} : memref<256x1024xf32, #tpu.memory_space<vmem>>, vector<256x1024xf32>,
    } else {
    }
    return
  }
  func.func @transform_0(%arg0: i32, %arg1: memref<24xi32, #tpu.memory_space<smem>>, %arg2: memref<1xi32, #tpu.memory_space<smem>>, %arg3: memref<24xi32, #tpu.memory_space<smem>>, %arg4: memref<24xi32, #tpu.memory_space<smem>>, %arg5: memref<24xi32, #tpu.memory_space<smem>>) -> (i32, i32) {
    %c0_i32 = arith.constant 0 : i32
    %c0_i32_0 = arith.constant 0 : i32
    return %arg0, %c0_i32 : i32, i32
  }
  func.func @transform_4(%arg0: i32, %arg1: memref<24xi32, #tpu.memory_space<smem>>, %arg2: memref<1xi32, #tpu.memory_space<smem>>, %arg3: memref<24xi32, #tpu.memory_space<smem>>, %arg4: memref<24xi32, #tpu.memory_space<smem>>, %arg5: memref<24xi32, #tpu.memory_space<smem>>) -> (i32, i32) {
    %c0_i32 = arith.constant 0 : i32
    %c0_i32_0 = arith.constant 0 : i32
    return %arg0, %c0_i32 : i32, i32
  }
}

module attributes {stable_mosaic.version = 14 : i64} {
  func.func @_wadd_kernel(%arg0: i32, %arg1: memref<256x1024xf32, #tpu.memory_space<vmem>>, %arg2: memref<256x1024xf32, #tpu.memory_space<vmem>>, %arg3: memref<256x2xf32, #tpu.memory_space<vmem>>, %arg4: memref<256x1024xf32, #tpu.memory_space<vmem>>) attributes {dimension_semantics = [#tpu.dimension_semantics<arbitrary>], iteration_bounds = array<i64: 8>, scalar_prefetch = 0 : i64, scratch_operands = 0 : i64, tpu.core_type = #tpu.core_type<tc>, window_params = [{transform_indices = @transform_0, window_bounds = array<i64: 256, 1024>}, {transform_indices = @transform_1, window_bounds = array<i64: 256, 1024>}, {transform_indices = @transform_2, window_bounds = array<i64: 256, 2>}, {transform_indices = @transform_3, window_bounds = array<i64: 256, 1024>}]} {
    %get3A = arith.constant 0 : index
    %get3A_0 = arith.constant 0 : index
    %get3A_1 = vector.load %arg3[%get3A, %get3A_0] : memref<256x2xf32, #tpu.memory_space<vmem>>, vector<256x2xf32>
    %slice3A = vector.extract_strided_slice %get3A_1 {offsets = [0, 0], sizes = [256, 1], strides = [1, 1]} : vector<256x2xf32> to vector<256x1xf32>
    %get3A_2 = arith.constant 0 : index
    %get3A_3 = arith.constant 0 : index
    %get3A_4 = vector.load %arg1[%get3A_2, %get3A_3] : memref<256x1024xf32, #tpu.memory_space<vmem>>, vector<256x1024xf32>
    %mul3A = vector.broadcast %slice3A : vector<256x1xf32> to vector<256x1024xf32>
    %mul3A_5 = arith.mulf %mul3A, %get3A_4 : vector<256x1024xf32>
    %slice3A_6 = vector.extract_strided_slice %get3A_1 {offsets = [0, 1], sizes = [256, 1], strides = [1, 1]} : vector<256x2xf32> to vector<256x1xf32>
    %get3A_7 = arith.constant 0 : index
    %get3A_8 = arith.constant 0 : index
    %get3A_9 = vector.load %arg2[%get3A_7, %get3A_8] : memref<256x1024xf32, #tpu.memory_space<vmem>>, vector<256x1024xf32>
    %mul3A_10 = vector.broadcast %slice3A_6 : vector<256x1xf32> to vector<256x1024xf32>
    %mul3A_11 = arith.mulf %mul3A_10, %get3A_9 : vector<256x1024xf32>
    %add3A = arith.addf %mul3A_5, %mul3A_11 : vector<256x1024xf32>
    %swap3A = arith.constant 0 : index
    %swap3A_12 = arith.constant 0 : index
    %swap3A_13 = vector.load %arg4[%swap3A, %swap3A_12] : memref<256x1024xf32, #tpu.memory_space<vmem>>, vector<256x1024xf32>
    tpu.vector_store %arg4[%swap3A, %swap3A_12], %add3A {strides = array<i32>} : memref<256x1024xf32, #tpu.memory_space<vmem>>, vector<256x1024xf32>,
    return
  }
  func.func @transform_0(%arg0: i32) -> (i32, i32) {
    %c0_i32 = arith.constant 0 : i32
    %c0_i32_0 = arith.constant 0 : i32
    return %arg0, %c0_i32 : i32, i32
  }
  func.func @transform_1(%arg0: i32) -> (i32, i32) {
    %add3A = arith.constant 8 : i32
    %add3A_0 = arith.addi %arg0, %add3A : i32
    %c0_i32 = arith.constant 0 : i32
    %c0_i32_1 = arith.constant 0 : i32
    return %add3A_0, %c0_i32 : i32, i32
  }
  func.func @transform_2(%arg0: i32) -> (i32, i32) {
    %c0_i32 = arith.constant 0 : i32
    %c0_i32_0 = arith.constant 0 : i32
    return %arg0, %c0_i32 : i32, i32
  }
  func.func @transform_3(%arg0: i32) -> (i32, i32) {
    %c0_i32 = arith.constant 0 : i32
    %c0_i32_0 = arith.constant 0 : i32
    return %arg0, %c0_i32 : i32, i32
  }
}

</mosaic_0001>

<sc_bundles>
// kernel: gather_offload_async_start
scs
__scs_entry_jumppad:
0x0: {  	(pc) =	sbr.rel $0x88, $3  }
0x1: {  	(tag) =	ssettag $0x0;
	lr =	simm.s32 $0x1  }
0x2: {  	[smem:$0x3F9C] =	sst lr;
	_ =	strace $0xD0000000  }
0x3: {  	_ = 	snop  }
0x4: {  	_ = 	snop  }
0x5: {  	_ = 	snop  }
0x6: {  	_ = 	snop  }
0x7: {  	_ = 	snop  }
__scs_overlays_trampoline_lowered:
0x8: {  	[smem:$0x3FAB] =	sst s0  }
0x9: {  	[smem:$0x3FAC] =	sst s1  }
0xa: {  	[smem:$0x3FAD] =	sst s2  }
0xb: {  	[smem:$0x3FAE] =	sst s3  }
0xc: {  	[smem:$0x3FAF] =	sst s4  }
0xd: {  	[smem:$0x3FB0] =	sst s5  }
0xe: {  	[smem:$0x3FB1] =	sst s6  }
0xf: {  	[smem:$0x3FB2] =	sst s7  }
0x10: {  	[smem:$0x3FB3] =	sst s8  }
0x11: {  	[smem:$0x3FB4] =	sst s9;
	s0 =	simm.s32 @!p0 $0x0  }
0x12: {  	s1 =	sld [smem:$0x3F9A];
	s0 =	simm.s32 @p0 $0x1  }
0x13: {  	[smem:$0x3FB5] =	sst s0;
	s0 =	simm.s32 @!p1 $0x0  }
0x14: {  	s2 =	sld [smem:$0x3F99];
	s0 =	simm.s32 @p1 $0x1  }
0x15: {  	[smem:$0x3FB6] =	sst s0;
	s0 =	simm.s32 @!p2 $0x0  }
0x16: {  	s3 =	sld [smem:$0x3FDB];
	s0 =	simm.s32 @p2 $0x1  }
0x17: {  	s4 =	simm.s32 $0x1BF5;
	[smem:$0x3FB8] =	sst s0  }
0x18: {  	s0 =	sld [smem:$0x3F9B];
	_ =	swait.ge [sflag:s4], $0x0  }
0x19: {  	s7 =	sld [smem:$0x3F9C]  }
0x1a: {  	s8 =	sadd.s32 $0xFFFFE003, lr  }
0x1b: {  	s9 =	sadd.s32 $0xFFFFFEF7, lr;
	s5 =	simm.s32 $0xFFFFFFFF;
	p2 =	slt.u32 s8, $0xFFFFF086  }
0x1c: {  	p1 =	slt.u32 s9, $0xF7A;
	s5 =	simm.s32 @!p2 $0x0  }
0x1d: {  	s5 =	simm.s32 @p1 $0x1;
	p0 =	seq.s32 s7, s2  }
0x1e: {  	s7 =	smul.u32 @!p0 $0xF7A, s2;
	p2 =	seq.s32 @!p0 s5, $0x0  }
0x1f: {  	s9 =	smul.u32 $0xF7A, s1;
	s8 =	simm.s32 @!p0 $0x1BF5;
	p2 =	por !p2, p0  }
0x20: {  	[sflag:s8] =	ssyncset.s32 @!p0 $0xFFFFF086;
	s6 =	sadd.s32 @!p0 s3, s7;
	s7 =	simm.s32 @!p0 $0x108  }
0x21: {  	s3 =	sadd.s32 s3, s9;
	s6 =	sadd.s32 @!p0 $0x88, s6;
	s7 =	simm.s32 @p2 $0x1082  }
0x22: {  	[simem:s7], [sflag:s8] =	dma.local @!p0 [hbm:s6], $0xF7A  }
0x23: {  	s9 =	sor.u32 $0xD0000000, s2;
	s6 =	simm.s32 $0x108;
	_ =	swait.ge @!p0 [sflag:s8], $0x0  }
0x24: {  	s3 =	sadd.s32 $0x88, s3;
	s6 =	simm.s32 @!p1 $0x1082;
	[sflag:s4] =	ssyncset.s32 $0xFFFFF086  }
0x25: {  	[simem:s6], [sflag:s4] =	dma.local [hbm:s3], $0xF7A  }
0x26: {  	[smem:$0x3F9C] =	sst s1;
	(tag) =	ssettag s2;
	_ =	strace s9  }
0x27: {  	s1 =	sld [smem:$0x3FAC]  }
0x28: {  	s2 =	sld [smem:$0x3FAD]  }
0x29: {  	s4 =	sld [smem:$0x3FAF]  }
0x2a: {  	p0 =	seq.s32 s5, $0x0;
	s5 =	sld [smem:$0x3FB0]  }
0x2b: {  	s6 =	sld [smem:$0x3FB1]  }
0x2c: {  	s7 =	sld [smem:$0x3FB2]  }
0x2d: {  	s3 =	simm.s32 $0x108;
	s8 =	sld [smem:$0x3FB3]  }
0x2e: {  	s3 =	simm.s32 @!p0 $0x1082;
	s9 =	sld [smem:$0x3FB4]  }
0x2f: {  	lr =	sadd.s32 s0, s3;
	s0 =	sld [smem:$0x3FAB]  }
0x30: {  	s3 =	sld [smem:$0x3FAE]  }
0x31: {  	[smem:$0x3FB7] =	sst s10  }
0x32: {  	s10 =	sld [smem:$0x3FB5];
	_ =	sdelay $0x3  }
0x33: {  	p0 =	seq.s32 s10, $0x1;
	s10 =	sld [smem:$0x3FB7];
	_ =	sdelay $0x3  }
0x34: {  	[smem:$0x3FB7] =	sst s10  }
0x35: {  	s10 =	sld [smem:$0x3FB6];
	_ =	sdelay $0x3  }
0x36: {  	p1 =	seq.s32 s10, $0x1;
	s10 =	sld [smem:$0x3FB7];
	_ =	sdelay $0x3  }
0x37: {  	[smem:$0x3FB7] =	sst s10  }
0x38: {  	s10 =	sld [smem:$0x3FB8]  }
0x39: {  	_ = 	snop;
	(pc) =	sbr.ind lr, $3  }
0x3a: {  	_ = 	snop  }
0x3b: {  	_ = 	snop  }
0x3c: {  	p2 =	seq.s32 s10, $0x1;
	s10 =	sld [smem:$0x3FB7]  }
0x3d: {  	_ =	shalt  }
0x3e: {  	_ =	shalt  }
0x3f: {  	_ =	shalt  }
0x40: {  	_ =	shalt  }
0x41: {  	_ =	shalt  }
0x42: {  	_ =	shalt  }
0x43: {  	_ =	shalt  }
0x44: {  	_ =	shalt  }
0x45: {  	_ =	shalt  }
0x46: {  	_ =	shalt  }
0x47: {  	_ =	shalt  }
0x48: {  	_ =	shalt  }
0x49: {  	_ =	shalt  }
0x4a: {  	_ =	shalt  }
0x4b: {  	_ =	shalt  }
0x4c: {  	_ =	shalt  }
0x4d: {  	_ =	shalt  }
0x4e: {  	_ =	shalt  }
0x4f: {  	_ =	shalt  }
0x50: {  	_ =	shalt  }
0x51: {  	_ =	shalt  }
0x52: {  	_ =	shalt  }
0x53: {  	_ =	shalt  }
0x54: {  	_ =	shalt  }
0x55: {  	_ =	shalt  }
0x56: {  	_ =	shalt  }
0x57: {  	_ =	shalt  }
0x58: {  	_ =	shalt  }
0x59: {  	_ =	shalt  }
0x5a: {  	_ =	shalt  }
0x5b: {  	_ =	shalt  }
0x5c: {  	_ =	shalt  }
0x5d: {  	_ =	shalt  }
0x5e: {  	_ =	shalt  }
0x5f: {  	_ =	shalt  }
0x60: {  	_ =	shalt  }
0x61: {  	_ =	shalt  }
0x62: {  	_ =	shalt  }
0x63: {  	_ =	shalt  }
0x64: {  	_ =	shalt  }
0x65: {  	_ =	shalt  }
0x66: {  	_ =	shalt  }
0x67: {  	_ =	shalt  }
0x68: {  	_ =	shalt  }
0x69: {  	_ =	shalt  }
0x6a: {  	_ =	shalt  }
0x6b: {  	_ =	shalt  }
0x6c: {  	_ =	shalt  }
0x6d: {  	_ =	shalt  }
0x6e: {  	_ =	shalt  }
0x6f: {  	_ =	shalt  }
0x70: {  	_ =	shalt  }
0x71: {  	_ =	shalt  }
0x72: {  	_ =	shalt  }
0x73: {  	_ =	shalt  }
0x74: {  	_ =	shalt  }
0x75: {  	_ =	shalt  }
0x76: {  	_ =	shalt  }
0x77: {  	_ =	shalt  }
0x78: {  	_ =	shalt  }
0x79: {  	_ =	shalt  }
0x7a: {  	_ =	shalt  }
0x7b: {  	_ =	shalt  }
0x7c: {  	_ =	shalt  }
0x7d: {  	_ =	shalt  }
0x7e: {  	_ =	shalt  }
0x7f: {  	_ =	shalt  }
0x80: {  	_ =	shalt  }
0x81: {  	_ =	shalt  }
0x82: {  	_ =	shalt  }
0x83: {  	_ =	shalt  }
0x84: {  	_ =	shalt  }
0x85: {  	_ =	shalt  }
0x86: {  	_ =	shalt  }
0x87: {  	_ =	shalt  }
.Lfunc_end0:
.L_simem_size_0:
called_computation_lowered:
.L_overlay_start_0:
0x88: {  	s2 =	sld [smem:$0x3FD9]  }
0x89: {  	s3 =	sld [smem:$0x3FFE];
	_ =	sdelay $0x1  }
0x8a: {  	s1 =	srdreg.scid  }
0x8b: {  	s0 =	sand.u32 $0x1, s1  }
0x8c: {  	s17 =	sshll.u32 s0, $0xA;
	s2 =	sadd.s32 s3, s2  }
0x8d: {  	s2 =	sadd.s32 s2, s17  }
0x8e: {  	[smem:$0x3FC3] =	sst s2  }
0x8f: {  	_ = 	snop  }
0x90: {  	s2 =	sld [smem:$0x3FD0];
	(tm) =	ssettm $0x1  }
0x91: {  	s18 =	sld [smem:$0x3FFB];
	_ =	sdelay $0x3  }
0x92: {  	_ =	strace s18  }
0x93: {  	s3 =	sld [smem:$0x3FFC];
	_ =	sdelay $0x3  }
0x94: {  	_ =	strace s3  }
0x95: {  	s3 =	sld [smem:$0x3FFD];
	_ =	sdelay $0x3  }
0x96: {  	_ =	strace s3  }
0x97: {  	_ =	strace $0x8FFFFFFF  }
0x98: {  	s19 =	sld [smem:$0x3FDB];
	_ =	sdelay $0x1  }
0x99: {  	s4 =	simm.s32 $_scs_section_size  }
0x9a: {  	s5 =	simm.s32 $_size__tile_overlayer_lowered;
	s6 =	simm.s32 $_tile_overlayer_lowered  }
0x9b: {  	s22 =	simm.s32 $0x1BFF;
	s21 =	sshll.u32 s6, $0x1;
	s3 =	sadd.s32 s4, s19  }
0x9c: {  	s7 =	simm.s32 $0x0;
	s20 =	sshll.u32 s5, $0x1;
	s5 =	sadd.s32 s21, s3  }
0x9d: {  	[timem:s7], [sflag:s22] =	dma.local [hbm:s5], s20  }
0x9e: {  	_ =	swait.ge [sflag:s22], s20  }
0x9f: {  	s4 =	ssub.s32 $0x0, s20;
	[sflag:s22] =	ssyncset.done $0x0  }
0xa0: {  	[sflag:s22] =	ssyncadd.s32 s4;
	_ =	sdelay $0x1  }
0xa1: {  	s23 =	simm.s32 $0x1B8B  }
0xa2: {  	_ =	swait.ge [sflag:s23], $0x1  }
0xa3: {  	[sflag:s23] =	ssyncset.done $0x0  }
0xa4: {  	s25 =	simm.s32 $0x1B8E;
	s24 =	sld [smem:$0x3FFE];
	[sflag:s23] =	ssyncadd.s32 $0xFFFFFFFF  }
0xa5: {  	s26 =	simm.s32 $execute0_lowered;
	[smem:$0x3FD2] =	sst s25  }
0xa6: {  	s5 =	sshll.u32 s26, $0x1;
	_ =	strace $0x80000046;
	[dreg:$0x1] =	wrdreg $0xFFFFFFFF  }
0xa7: {  	s28 =	simm.s32 $_size_execute0_lowered;
	s3 =	sadd.s32 s3, s5;
	[dreg:$0x0] =	wrdreg $0x0  }
0xa8: {  	s5 =	sshll.u32 s28, $0x1;
	[dreg:$0x2] =	wrdreg s3  }
0xa9: {  	[dreg:$0x3] =	wrdreg s5  }
0xaa: {  	[dreg:$0x4] =	wrdreg $0xC0  }
0xab: {  	_ =	task [dreg:s7], $0x5FFFF  }
0xac: {  	[dreg:$0x1] =	wrdreg $0xFFFFFFFF  }
0xad: {  	[dreg:$0x0] =	wrdreg $0x60  }
0xae: {  	[dreg:$0x2] =	wrdreg s2  }
0xaf: {  	[dreg:$0x3] =	wrdreg s24  }
0xb0: {  	[dreg:$0x4] =	wrdreg $0x9  }
0xb1: {  	_ =	task.clear_ibuf [dreg:s7], $0x5FFFF;
	_ =	strace $0x90000046  }
0xb2: {  	s29 =	simm.s32 $0x9;
	_ =	strace $0x80000048  }
0xb3: {  	_ =	swait.ge [sflag:s29], $0x1  }
0xb4: {  	[sflag:s29] =	ssyncadd.s32 $0xFFFFFFFF  }
0xb5: {  	_ =	strace $0x90000048  }
0xb6: {  	_ =	sfence  }
0xb7: {  	s30 =	sld [smem:$0x0];
	_ =	sdelay $0x2  }
0xb8: {  	s31 =	sshll.u32 s1, $0xD;
	s1 =	sshrl.u32 s1, $0x2  }
0xb9: {  	s3 =	sand.u32 $0x4000, s31;
	s1 =	sadd.s32 s1, s30  }
0xba: {  	s0 =	sor.u32 s3, s0;
	s1 =	sshll.u32 s1, $0x11  }
0xbb: {  	s0 =	sor.u32 s1, s0  }
0xbc: {  	s0 =	sadd.s32 $0x8F2B, s0  }
0xbd: {  	[sflag:s0] =	ssyncadd.remote.s32 $0x1  }
0xbe: {  	_ =	sfence.sel $0xFFFF  }
0xbf: {  	[dreg:$0x0] =	wrdreg $0xFFFFFFFF;
	(pc) =	sbr.abs _section_cstart, $3  }
0xc0: {  	[dreg:$0x1] =	wrdreg $0xFFFFFFFF  }
0xc1: {  	_ =	task.clear_ibuf [dreg:s7], $0x2FFFF;
	_ =	strace $0x9FFFFFFF  }
0xc2: {  	(tm) =	ssettm $0x7FFFFFFF  }
0xc3: {  	_ =	shalt  }
tec
execute0_lowered:
.L_overlay_start_1:
0x0: {  	(tag) =	ssettag $0x1  }
0x1: {  	s1 =	srdreg.scid;
	s2 =	rddreg [dreg:$0x0]  }
0x2: {  	s0 =	stileid.u32;
	s5 =	rddreg [dreg:$0x1];
	s6 =	simm.s32 $0x1  }
0x3: {  	s9 =	simm.s32 $0x1;
	s10 =	simm.s32 $0x3;
	s1 =	sshll.u32 s1, $0x6  }
0x4: {  	s13 =	simm.s32 $0x0;
	s3 =	sshll.u32 s0, $0x7;
	s4 =	sand.u32 $0x40, s1  }
0x5: {  	s12 =	simm.s32 $0x0;
	s1 =	rddreg [dreg:$0x2];
	s3 =	sor.u32 s3, s4  }
0x6: {  	_ =	strace $0x80000047;
	s4 =	sadd.s32 $0x1000, s5;
	s8 =	ssub.s32 $0x1000, s3  }
.Ltmp0:
0x7: {  	s5 =	sadd.s32 $0x1200, s5;
	s7 =	sand.u32 $0x7C0, s8;
	(pc) =	sbr.rel .LBB2_1-.Ltmp0, $4  }
0x8: {  	[sflag:s6] =	ssyncpa.u1 $0x0;
	s11 =	smov.u32 s3;
	p0 =	sne.s32 s7, $0x0  }
0x9: {  	s8 =	sshrl.u32 s8, $0xB;
	s7 =	simm.s32 $0x2;
	s9 =	simm.s32 @!p0 $0x0  }
0xa: {  	[sflag:s7] =	ssyncpa.u1 $0x0;
	p0 =	por $0x0, $0x0;
	s8 =	sadd.s32 s9, s8  }
0xb: {  	vm0 =	vmmov $0xffff;
	[sflag:s10] =	ssyncpa.u1 $0x0;
	s10 =	simm.s32 $0x0;
	s9 =	sadd.s32 $0x1, s8  }
.LBB2_4:
0xc: {  	v1 =	vsel vm1, $0xFFFFFFFF, v1;
	v2 =	vand.u32 $0x7, v2  }
0xd: {  	v2 =	vsel vm1, $0xFFFFFFFF, v2;
	v3 =	vshll.u32 v1, $0x3  }
0xe: {  	v4 =	vand.u32 $0xFFFF8000, v2;
	v3 =	vand.u32 $0xFFFFFC00, v3;
	v2 =	vshll.u32 v2, $0x7  }
0xf: {  	v3 =	vadd.s32 v3, v4;
	v2 =	vand.u32 $0x380, v2  }
0x10: {  	v1 =	vand.u32 $0x7F, v1;
	v2 =	vor.u32 v2, v3  }
0x11: {  	v1 =	vor.u32 v1, v2;
	_ =	sdelay $0x1  }
0x12: {  	(ifvalue) =	ssetifvalue $0x7FFFFFFF;
	s15 =	sadd.s32 $0x10, s15  }
0x13: {  	[tilespmem:s15], [sflag:$0x1] =	stream.indirect_vreg.gather [hbm4b:s2+s10], $0x1, v0, vm0, $0x4038;
	[tilespmem:$0x100] =	vst v63  }
0x14: {  	(ifvalue) =	ssetifvalue $0x7FFFFFFF;
	s15 =	sadd.s32 $0x10, s15  }
0x15: {  	[tilespmem:s15], [sflag:$0x1] =	stream.indirect_vreg.gather [hbm4b:s2+s10], $0x1, v1, vm0, $0x4038;
	[tilespmem:$0x100] =	vst v63  }
0x16: {  	_ =	swait.ge [sflag:s6], $0x40  }
0x17: {  	s30 =	sshrl.u32 s13, $0x3;
	[sflag:s6] =	ssyncset.done $0x0  }
0x18: {  	s31 =	sand.u32 $0x7, s13;
	s15 =	sadd.s32 s5, s30;
	[sflag:s6] =	ssyncadd.s32 $0xFFFFFFC0  }
0x19: {  	[hbm4b:s15+s31] =	stream.linear.scatter [tilespmem:s14], [sflag:$0x3], $0x40, $0x38;
	[tilespmem:$0x100] =	vst v63  }
.LBB2_5:
0x1a: {  	s15 =	sadd.s32 $0x800, s11  }
0x1b: {  	p2 =	sgt.s32 s15, $0xFFF  }
0x1c: {  	s15 =	smov.u32 @p2 s3;
	p2 =	sne.s32 s12, s9  }
.Ltmp1:
0x1d: {  	p1 =	slt.u32 s12, $0x2;
	(pc) =	sbr.rel @!p2 .LBB2_6-.Ltmp1, $4  }
0x1e: {  	s14 =	simm.s32 @!p1 $0x3  }
0x1f: {  	s16 =	sadd.s32 $0x1, s12;
	_ =	swait.ge @!p1 [sflag:s14], $0x40  }
0x20: {  	s13 =	smov.u32 s11;
	p0 =	por !p0, !p0;
	[sflag:s14] =	ssyncset.done @!p1 $0x0  }
0x21: {  	s12 =	smov.u32 s16;
	s11 =	smov.u32 s15;
	[sflag:s14] =	ssyncadd.s32 @!p1 $0xFFFFFFC0  }
.LBB2_1:
0x22: {  	p1 =	sge.u32 s12, s8  }
0x23: {  	s14 =	sxor.u32 @!p1 $0xFFFFFFFF, s12  }
0x24: {  	s31 =	sadd.s32 $0xFFFFFFFF, s12;
	s15 =	sshrl.u32 @!p1 s11, $0x3;
	s14 =	sshll.u32 @!p1 s14, $0x6  }
0x25: {  	s16 =	sand.u32 @!p1 $0x7, s11;
	s15 =	sadd.s32 @!p1 s4, s15;
	s14 =	sand.u32 @!p1 $0x40, s14  }
0x26: {  	[tilespmem:s14], [sflag:$0x2] =	stream.linear.gather @!p1 [hbm4b:s15+s16], $0x40, $0x38;
	[tilespmem:$0x100] =	vst v63  }
0x27: {  	p1 =	sge.u32 s31, s8  }
.Ltmp2:
0x28: {  	_ = 	snop;
	(pc) =	sbr.rel @p1 .LBB2_5-.Ltmp2, $1  }
0x29: {  	_ =	sdelay $0x3  }
0x2a: {  	s14 =	simm.s32 $0x1  }
0x2b: {  	_ =	swait.ge [sflag:s7], $0x40;
	s14 =	simm.s32 @!p0 $0x0  }
0x2c: {  	[sflag:s7] =	ssyncset.done $0x0;
	s14 =	sshll.u32 s14, $0x6  }
0x2d: {  	[sflag:s7] =	ssyncadd.s32 $0xFFFFFFC0;
	(ifvalue) =	ssetifvalue $0x7FFFFFFF;
	v0 =	vld.msk [tilespmem:s14+$0x0 ss:$0x1], $0xffff;
	_ =	sdelay $0x3  }
0x2e: {  	s15 =	sadd.s32 $0x10, s14  }
0x2f: {  	v2 =	vld.msk [tilespmem:s15+$0x0 ss:$0x1], $0xffff;
	vm1 =	veq.s32 v0, $0x80000000;
	v1 =	vand.u32 $0xFFF, v0;
	v0 =	vshrl.u32 v0, $0xC  }
0x30: {  	v1 =	vsel vm1, $0xFFFFFFFF, v1;
	v0 =	vand.u32 $0x7, v0  }
0x31: {  	v0 =	vsel vm1, $0xFFFFFFFF, v0;
	v3 =	vshll.u32 v1, $0x3  }
0x32: {  	v4 =	vand.u32 $0xFFFF8000, v0;
	v3 =	vand.u32 $0xFFFFFC00, v3;
	v0 =	vshll.u32 v0, $0x7  }
0x33: {  	v3 =	vadd.s32 v3, v4;
	v0 =	vand.u32 $0x380, v0  }
0x34: {  	v1 =	vand.u32 $0x7F, v1;
	vm1 =	veq.s32 v2, $0x80000000;
	v0 =	vor.u32 v0, v3  }
0x35: {  	v0 =	vor.u32 v1, v0;
	v1 =	vand.u32 $0xFFF, v2;
	v2 =	vshrl.u32 v2, $0xC  }
0x36: {  	s17 =	sadd.s32 $0x10, s15;
	v1 =	vsel vm1, $0xFFFFFFFF, v1;
	v2 =	vand.u32 $0x7, v2  }
0x37: {  	v3 =	vld.msk [tilespmem:s17+$0x0 ss:$0x1], $0xffff;
	v2 =	vsel vm1, $0xFFFFFFFF, v2;
	v63 =	vshll.u32 v1, $0x3  }
0x38: {  	v5 =	vand.u32 $0xFFFF8000, v2;
	v4 =	vand.u32 $0xFFFFFC00, v63;
	v2 =	vshll.u32 v2, $0x7  }
0x39: {  	s31 =	sshll.u32 s12, $0x6;
	s15 =	sor.u32 $0x80, s14;
	(ifvalue) =	ssetifvalue $0x7FFFFFFF;
	v4 =	vadd.s32 v4, v5;
	v2 =	vand.u32 $0x380, v2  }
0x3a: {  	[tilespmem:s15], [sflag:$0x1] =	stream.indirect_vreg.gather [hbm4b:s2+s10], $0x1, v0, vm0, $0x4038;
	v0 =	vand.u32 $0x7F, v1;
	v1 =	vor.u32 v2, v4;
	[tilespmem:$0x100] =	vst v63  }
0x3b: {  	s14 =	sand.u32 $0x40, s31;
	v0 =	vor.u32 v0, v1  }
0x3c: {  	s16 =	simm.s32 $0x20;
	s14 =	sor.u32 $0x80, s14;
	s17 =	sadd.s32 $0x10, s17;
	vm1 =	veq.s32 v3, $0x80000000;
	v2 =	vshrl.u32 v3, $0xC;
	v1 =	vand.u32 $0xFFF, v3  }
.LBB2_3:
0x3d: {  	v3 =	vld.msk [tilespmem:s17+$0x0 ss:$0x1], $0xffff;
	s16 =	sadd.s32 $0x10, s16;
	v1 =	vsel vm1, $0xFFFFFFFF, v1;
	v2 =	vand.u32 $0x7, v2  }
0x3e: {  	p1 =	slt.u32 s16, $0x30;
	v2 =	vsel vm1, $0xFFFFFFFF, v2;
	v4 =	vshll.u32 v1, $0x3  }
.Ltmp3:
0x3f: {  	s15 =	sadd.s32 $0x10, s15;
	v5 =	vand.u32 $0xFFFF8000, v2;
	v4 =	vand.u32 $0xFFFFFC00, v4;
	v2 =	vshll.u32 v2, $0x7;
	(ifvalue) =	ssetifvalue $0x7FFFFFFF;
	(pc) =	sbr.rel @p1 .LBB2_3-.Ltmp3, $4  }
0x40: {  	v4 =	vadd.s32 v4, v5;
	v2 =	vand.u32 $0x380, v2;
	[tilespmem:s15], [sflag:$0x1] =	stream.indirect_vreg.gather [hbm4b:s2+s10], $0x1, v0, vm0, $0x4038;
	[tilespmem:$0x100] =	vst v63  }
0x41: {  	v0 =	vand.u32 $0x7F, v1;
	v1 =	vor.u32 v2, v4  }
0x42: {  	v0 =	vor.u32 v0, v1  }
0x43: {  	s17 =	sadd.s32 $0x10, s17;
	vm1 =	veq.s32 v3, $0x80000000;
	v1 =	vand.u32 $0xFFF, v3;
	v2 =	vshrl.u32 v3, $0xC  }
.Ltmp4:
0x44: {  	_ = 	snop;
	(pc) =	sbr.rel .LBB2_4-.Ltmp4, $1  }
0x45: {  	_ =	sdelay $0x3  }
.LBB2_6:
0x46: {  	_ =	sfence.sel $0x180000  }
0x47: {  	s2 =	simm.s32 $0x2;
	[bflag:$0x0] =	sbarrier.arrive $0xFFFF  }
0x48: {  	s30 =	simm.s32 $0x3;
	[sflag:s2] =	ssyncpa.u1 $0x1  }
0x49: {  	s31 =	simm.s32 $0x1;
	[sflag:s30] =	ssyncpa.u1 $0x1  }
0x4a: {  	[sflag:s31] =	ssyncpa.u1 $0x1  }
0x4b: {  	p0 =	sne.s32 s0, $0x0;
	_ =	strace $0x90000047  }
0x4c: {  	s0 =	sadd.s32 @!p0 $0x100000, s1;
	[bflag:$0x2] =	sbarrier.arrive $0xFFFF  }
0x4d: {  	[sflag:s0] =	ssyncadd.tile.s32 @!p0 $0x1;
	_ =	shalt  }
.Lfunc_end2:
_tile_overlayer_lowered:
.L_overlay_start_2:
0x4e: {  	(tag) =	ssettag $0x2  }
0x4f: {  	s0 =	rddreg [dreg:$0x0];
	s2 =	stileid.u32  }
0x50: {  	s1 =	rddreg [dreg:$0x1];
	p0 =	sne.s32 s2, $0x0  }
0x51: {  	s3 =	rddreg [dreg:$0x2];
	[bflag:$0x3] =	sbarrier.arrive $0xFFFF;
	s2 =	simm.s32 @!p0 $0x1C01  }
0x52: {  	[timem:s3], [sflag:s2] =	dma.local @!p0 [hbm:s0], s1  }
0x53: {  	s0 =	simm.s32 @!p0 $0x1  }
0x54: {  	_ =	swait.ge @!p0 [sflag:s0], s1  }
0x55: {  	s1 =	ssub.s32 @!p0 $0x0, s1;
	[sflag:s0] =	ssyncset.done @!p0 $0x0  }
0x56: {  	[sflag:s0] =	ssyncadd.s32 @!p0 s1  }
0x57: {  	[bflag:$0x3] =	sbarrier.arrive $0xFFFF  }
0x58: {  	_ =	shalt  }

// kernel: kernel.10.cloned.1.call-start
scs
__scs_entry_jumppad:
0x0: {  	(pc) =	sbr.rel $0x88, $3  }
0x1: {  	(tag) =	ssettag $0x0;
	lr =	simm.s32 $0x1  }
0x2: {  	[smem:$0x3F9C] =	sst lr;
	_ =	strace $0xD0000000  }
0x3: {  	_ = 	snop  }
0x4: {  	_ = 	snop  }
0x5: {  	_ = 	snop  }
0x6: {  	_ = 	snop  }
0x7: {  	_ = 	snop  }
__scs_overlays_trampoline_lowered:
0x8: {  	[smem:$0x3FAB] =	sst s0  }
0x9: {  	[smem:$0x3FAC] =	sst s1  }
0xa: {  	[smem:$0x3FAD] =	sst s2  }
0xb: {  	[smem:$0x3FAE] =	sst s3  }
0xc: {  	[smem:$0x3FAF] =	sst s4  }
0xd: {  	[smem:$0x3FB0] =	sst s5  }
0xe: {  	[smem:$0x3FB1] =	sst s6  }
0xf: {  	[smem:$0x3FB2] =	sst s7  }
0x10: {  	[smem:$0x3FB3] =	sst s8  }
0x11: {  	[smem:$0x3FB4] =	sst s9;
	s0 =	simm.s32 @!p0 $0x0  }
0x12: {  	s1 =	sld [smem:$0x3F9A];
	s0 =	simm.s32 @p0 $0x1  }
0x13: {  	[smem:$0x3FB5] =	sst s0;
	s0 =	simm.s32 @!p1 $0x0  }
0x14: {  	s2 =	sld [smem:$0x3F99];
	s0 =	simm.s32 @p1 $0x1  }
0x15: {  	[smem:$0x3FB6] =	sst s0;
	s0 =	simm.s32 @!p2 $0x0  }
0x16: {  	s3 =	sld [smem:$0x3FDB];
	s0 =	simm.s32 @p2 $0x1  }
0x17: {  	s4 =	simm.s32 $0x1BF5;
	[smem:$0x3FB8] =	sst s0  }
0x18: {  	s0 =	sld [smem:$0x3F9B];
	_ =	swait.ge [sflag:s4], $0x0  }
0x19: {  	s7 =	sld [smem:$0x3F9C]  }
0x1a: {  	s8 =	sadd.s32 $0xFFFFE003, lr  }
0x1b: {  	s9 =	sadd.s32 $0xFFFFFEF7, lr;
	s5 =	simm.s32 $0xFFFFFFFF;
	p2 =	slt.u32 s8, $0xFFFFF086  }
0x1c: {  	p1 =	slt.u32 s9, $0xF7A;
	s5 =	simm.s32 @!p2 $0x0  }
0x1d: {  	s5 =	simm.s32 @p1 $0x1;
	p0 =	seq.s32 s7, s2  }
0x1e: {  	s7 =	smul.u32 @!p0 $0xF7A, s2;
	p2 =	seq.s32 @!p0 s5, $0x0  }
0x1f: {  	s9 =	smul.u32 $0xF7A, s1;
	s8 =	simm.s32 @!p0 $0x1BF5;
	p2 =	por !p2, p0  }
0x20: {  	[sflag:s8] =	ssyncset.s32 @!p0 $0xFFFFF086;
	s6 =	sadd.s32 @!p0 s3, s7;
	s7 =	simm.s32 @!p0 $0x108  }
0x21: {  	s3 =	sadd.s32 s3, s9;
	s6 =	sadd.s32 @!p0 $0x88, s6;
	s7 =	simm.s32 @p2 $0x1082  }
0x22: {  	[simem:s7], [sflag:s8] =	dma.local @!p0 [hbm:s6], $0xF7A  }
0x23: {  	s9 =	sor.u32 $0xD0000000, s2;
	s6 =	simm.s32 $0x108;
	_ =	swait.ge @!p0 [sflag:s8], $0x0  }
0x24: {  	s3 =	sadd.s32 $0x88, s3;
	s6 =	simm.s32 @!p1 $0x1082;
	[sflag:s4] =	ssyncset.s32 $0xFFFFF086  }
0x25: {  	[simem:s6], [sflag:s4] =	dma.local [hbm:s3], $0xF7A  }
0x26: {  	[smem:$0x3F9C] =	sst s1;
	(tag) =	ssettag s2;
	_ =	strace s9  }
0x27: {  	s1 =	sld [smem:$0x3FAC]  }
0x28: {  	s2 =	sld [smem:$0x3FAD]  }
0x29: {  	s4 =	sld [smem:$0x3FAF]  }
0x2a: {  	p0 =	seq.s32 s5, $0x0;
	s5 =	sld [smem:$0x3FB0]  }
0x2b: {  	s6 =	sld [smem:$0x3FB1]  }
0x2c: {  	s7 =	sld [smem:$0x3FB2]  }
0x2d: {  	s3 =	simm.s32 $0x108;
	s8 =	sld [smem:$0x3FB3]  }
0x2e: {  	s3 =	simm.s32 @!p0 $0x1082;
	s9 =	sld [smem:$0x3FB4]  }
0x2f: {  	lr =	sadd.s32 s0, s3;
	s0 =	sld [smem:$0x3FAB]  }
0x30: {  	s3 =	sld [smem:$0x3FAE]  }
0x31: {  	[smem:$0x3FB7] =	sst s10  }
0x32: {  	s10 =	sld [smem:$0x3FB5];
	_ =	sdelay $0x3  }
0x33: {  	p0 =	seq.s32 s10, $0x1;
	s10 =	sld [smem:$0x3FB7];
	_ =	sdelay $0x3  }
0x34: {  	[smem:$0x3FB7] =	sst s10  }
0x35: {  	s10 =	sld [smem:$0x3FB6];
	_ =	sdelay $0x3  }
0x36: {  	p1 =	seq.s32 s10, $0x1;
	s10 =	sld [smem:$0x3FB7];
	_ =	sdelay $0x3  }
0x37: {  	[smem:$0x3FB7] =	sst s10  }
0x38: {  	s10 =	sld [smem:$0x3FB8]  }
0x39: {  	_ = 	snop;
	(pc) =	sbr.ind lr, $3  }
0x3a: {  	_ = 	snop  }
0x3b: {  	_ = 	snop  }
0x3c: {  	p2 =	seq.s32 s10, $0x1;
	s10 =	sld [smem:$0x3FB7]  }
0x3d: {  	_ =	shalt  }
0x3e: {  	_ =	shalt  }
0x3f: {  	_ =	shalt  }
0x40: {  	_ =	shalt  }
0x41: {  	_ =	shalt  }
0x42: {  	_ =	shalt  }
0x43: {  	_ =	shalt  }
0x44: {  	_ =	shalt  }
0x45: {  	_ =	shalt  }
0x46: {  	_ =	shalt  }
0x47: {  	_ =	shalt  }
0x48: {  	_ =	shalt  }
0x49: {  	_ =	shalt  }
0x4a: {  	_ =	shalt  }
0x4b: {  	_ =	shalt  }
0x4c: {  	_ =	shalt  }
0x4d: {  	_ =	shalt  }
0x4e: {  	_ =	shalt  }
0x4f: {  	_ =	shalt  }
0x50: {  	_ =	shalt  }
0x51: {  	_ =	shalt  }
0x52: {  	_ =	shalt  }
0x53: {  	_ =	shalt  }
0x54: {  	_ =	shalt  }
0x55: {  	_ =	shalt  }
0x56: {  	_ =	shalt  }
0x57: {  	_ =	shalt  }
0x58: {  	_ =	shalt  }
0x59: {  	_ =	shalt  }
0x5a: {  	_ =	shalt  }
0x5b: {  	_ =	shalt  }
0x5c: {  	_ =	shalt  }
0x5d: {  	_ =	shalt  }
0x5e: {  	_ =	shalt  }
0x5f: {  	_ =	shalt  }
0x60: {  	_ =	shalt  }
0x61: {  	_ =	shalt  }
0x62: {  	_ =	shalt  }
0x63: {  	_ =	shalt  }
0x64: {  	_ =	shalt  }
0x65: {  	_ =	shalt  }
0x66: {  	_ =	shalt  }
0x67: {  	_ =	shalt  }
0x68: {  	_ =	shalt  }
0x69: {  	_ =	shalt  }
0x6a: {  	_ =	shalt  }
0x6b: {  	_ =	shalt  }
0x6c: {  	_ =	shalt  }
0x6d: {  	_ =	shalt  }
0x6e: {  	_ =	shalt  }
0x6f: {  	_ =	shalt  }
0x70: {  	_ =	shalt  }
0x71: {  	_ =	shalt  }
0x72: {  	_ =	shalt  }
0x73: {  	_ =	shalt  }
0x74: {  	_ =	shalt  }
0x75: {  	_ =	shalt  }
0x76: {  	_ =	shalt  }
0x77: {  	_ =	shalt  }
0x78: {  	_ =	shalt  }
0x79: {  	_ =	shalt  }
0x7a: {  	_ =	shalt  }
0x7b: {  	_ =	shalt  }
0x7c: {  	_ =	shalt  }
0x7d: {  	_ =	shalt  }
0x7e: {  	_ =	shalt  }
0x7f: {  	_ =	shalt  }
0x80: {  	_ =	shalt  }
0x81: {  	_ =	shalt  }
0x82: {  	_ =	shalt  }
0x83: {  	_ =	shalt  }
0x84: {  	_ =	shalt  }
0x85: {  	_ =	shalt  }
0x86: {  	_ =	shalt  }
0x87: {  	_ =	shalt  }
.Lfunc_end0:
.L_simem_size_0:
called_computation.2_lowered:
.L_overlay_start_0:
0x88: {  	s2 =	sld [smem:$0x3FD9]  }
0x89: {  	s3 =	sld [smem:$0x3FFE];
	_ =	sdelay $0x1  }
0x8a: {  	s1 =	srdreg.scid  }
0x8b: {  	s0 =	sand.u32 $0x1, s1  }
0x8c: {  	s16 =	sshll.u32 s0, $0xA;
	s2 =	sadd.s32 s3, s2  }
0x8d: {  	s2 =	sadd.s32 s2, s16  }
0x8e: {  	[smem:$0x3FC3] =	sst s2  }
0x8f: {  	_ = 	snop  }
0x90: {  	(tm) =	ssettm $0x1  }
0x91: {  	s17 =	sld [smem:$0x3FFB];
	_ =	sdelay $0x3  }
0x92: {  	_ =	strace s17  }
0x93: {  	s2 =	sld [smem:$0x3FFC];
	_ =	sdelay $0x3  }
0x94: {  	_ =	strace s2  }
0x95: {  	s2 =	sld [smem:$0x3FFD];
	_ =	sdelay $0x3  }
0x96: {  	_ =	strace s2  }
0x97: {  	_ =	strace $0x8FFFFFFF  }
0x98: {  	s18 =	sld [smem:$0x3FDB];
	_ =	sdelay $0x1  }
0x99: {  	s19 =	simm.s32 $_scs_section_size  }
0x9a: {  	s4 =	simm.s32 $_size__tile_overlayer_lowered;
	s5 =	simm.s32 $_tile_overlayer_lowered  }
0x9b: {  	s22 =	simm.s32 $0x1BFF;
	s21 =	sshll.u32 s5, $0x1;
	s2 =	sadd.s32 s19, s18  }
0x9c: {  	s6 =	simm.s32 $0x0;
	s20 =	sshll.u32 s4, $0x1;
	s4 =	sadd.s32 s21, s2  }
0x9d: {  	[timem:s6], [sflag:s22] =	dma.local [hbm:s4], s20  }
0x9e: {  	_ =	swait.ge [sflag:s22], s20  }
0x9f: {  	s3 =	ssub.s32 $0x0, s20;
	[sflag:s22] =	ssyncset.done $0x0  }
0xa0: {  	[sflag:s22] =	ssyncadd.s32 s3;
	_ =	sdelay $0x1  }
0xa1: {  	s23 =	simm.s32 $0x1B8B  }
0xa2: {  	_ =	swait.ge [sflag:s23], $0x1  }
0xa3: {  	[sflag:s23] =	ssyncset.done $0x0  }
0xa4: {  	s25 =	simm.s32 $0x1B8E;
	s24 =	sld [smem:$0x3FFE];
	[sflag:s23] =	ssyncadd.s32 $0xFFFFFFFF  }
0xa5: {  	s26 =	simm.s32 $execute0_lowered;
	[smem:$0x3FD2] =	sst s25  }
0xa6: {  	s4 =	sshll.u32 s26, $0x1;
	_ =	strace $0x8000004C;
	[dreg:$0x1] =	wrdreg $0xFFFFFFFF  }
0xa7: {  	s28 =	simm.s32 $_size_execute0_lowered;
	s2 =	sadd.s32 s2, s4;
	[dreg:$0x0] =	wrdreg $0x0  }
0xa8: {  	s4 =	sshll.u32 s28, $0x1;
	[dreg:$0x2] =	wrdreg s2  }
0xa9: {  	[dreg:$0x3] =	wrdreg s4  }
0xaa: {  	[dreg:$0x4] =	wrdreg $0xC0  }
0xab: {  	_ =	task [dreg:s6], $0x5FFFF  }
0xac: {  	[dreg:$0x1] =	wrdreg $0xFFFFFFFF  }
0xad: {  	[dreg:$0x0] =	wrdreg $0x60  }
0xae: {  	[dreg:$0x2] =	wrdreg s24  }
0xaf: {  	[dreg:$0x3] =	wrdreg $0x9  }
0xb0: {  	_ =	task.clear_ibuf [dreg:s6], $0x4FFFF;
	_ =	strace $0x9000004C  }
0xb1: {  	s29 =	simm.s32 $0x9;
	_ =	strace $0x8000004E  }
0xb2: {  	_ =	swait.ge [sflag:s29], $0x1  }
0xb3: {  	[sflag:s29] =	ssyncadd.s32 $0xFFFFFFFF  }
0xb4: {  	_ =	strace $0x9000004E  }
0xb5: {  	_ =	sfence  }
0xb6: {  	s30 =	sld [smem:$0x0];
	_ =	sdelay $0x2  }
0xb7: {  	s31 =	sshll.u32 s1, $0xD;
	s1 =	sshrl.u32 s1, $0x2  }
0xb8: {  	s3 =	sand.u32 $0x4000, s31;
	s1 =	sadd.s32 s1, s30  }
0xb9: {  	s0 =	sor.u32 s3, s0;
	s1 =	sshll.u32 s1, $0x11  }
0xba: {  	s0 =	sor.u32 s1, s0  }
0xbb: {  	s0 =	sadd.s32 $0x8F2B, s0  }
0xbc: {  	[sflag:s0] =	ssyncadd.remote.s32 $0x1  }
0xbd: {  	_ =	sfence.sel $0xFFFF  }
0xbe: {  	[dreg:$0x0] =	wrdreg $0xFFFFFFFF;
	(pc) =	sbr.abs _section_cstart, $3  }
0xbf: {  	[dreg:$0x1] =	wrdreg $0xFFFFFFFF  }
0xc0: {  	_ =	task.clear_ibuf [dreg:s6], $0x2FFFF;
	_ =	strace $0x9FFFFFFF  }
0xc1: {  	(tm) =	ssettm $0x7FFFFFFF  }
tec
execute0_lowered:
.L_overlay_start_1:
0x0: {  	(tag) =	ssettag $0x1  }
0x1: {  	s0 =	srdreg.scid  }
0x2: {  	s2 =	stileid.u32;
	s1 =	rddreg [dreg:$0x0];
	s8 =	simm.s32 $0x3  }
0x3: {  	s9 =	simm.s32 $0x1;
	s19 =	simm.s32 $0x2;
	s21 =	simm.s32 $0x880  }
0x4: {  	s22 =	simm.s32 $0x1080;
	s23 =	simm.s32 $0x1880;
	s28 =	simm.s32 $0x3080  }
0x5: {  	s29 =	simm.s32 $0x3880;
	s30 =	simm.s32 $0x4080;
	s31 =	simm.s32 $0x4880  }
0x6: {  	s10 =	simm.s32 $0x6080;
	s11 =	simm.s32 $0x6880;
	s12 =	simm.s32 $0x7080  }
0x7: {  	s13 =	simm.s32 $0x7880;
	s18 =	simm.s32 $0x8080;
	s14 =	simm.s32 $0x8880  }
0x8: {  	s15 =	simm.s32 $0x9080;
	s16 =	simm.s32 $0x9880;
	s0 =	sand.u32 $0x1, s0  }
0x9: {  	s3 =	sshll.u32 s2, $0x8;
	s2 =	simm.s32 $0x0;
	s4 =	sshll.u32 s0, $0x7  }
0xa: {  	s17 =	simm.s32 $0xA080;
	[smem:$0x7FF] =	sst s2;
	s3 =	sor.u32 s4, s3  }
0xb: {  	s0 =	ssub.s32 $0x2, s0;
	_ =	strace $0x8000004D;
	s4 =	sshrl.u32 s3, $0x3  }
0xc: {  	s6 =	sshrl.u32 s0, $0x1;
	s5 =	sshll.u32 s3, $0x7;
	s4 =	sadd.s32 s4, s1  }
0xd: {  	s3 =	sadd.s32 $0xC1400, s1;
	s5 =	sadd.s32 s5, s1;
	s4 =	sadd.s32 $0x600, s4  }
0xe: {  	s0 =	ssub.s32 s0, s6;
	s24 =	sadd.s32 $0x800, s5;
	[dreg:$0x2] =	wrdreg s4  }
0xf: {  	s6 =	sadd.s32 $0xC1700, s1;
	s25 =	sadd.s32 $0x1800, s5;
	[dreg:$0x3] =	wrdreg s24  }
0x10: {  	s26 =	sadd.s32 $0x2800, s5;
	s7 =	sadd.s32 $0x3800, s5;
	[dreg:$0x4] =	wrdreg s25  }
0x11: {  	v2 =	vlaneseq.u32;
	s5 =	sadd.s32 $0xC1600, s1;
	s4 =	sadd.s32 $0xC1500, s1;
	[dreg:$0x5] =	wrdreg s26  }
0x12: {  	vm0 =	vmmov $0xffff;
	v1 =	vshrl.u32 v2, $0x3;
	[dreg:$0x6] =	wrdreg s7;
	s7 =	smax.u32 s0, $0x1;
	s25 =	simm.s32 $0x80  }
0x13: {  	v0 =	vand.u32 $0x7, v2;
	v2 =	vor.u32 $0x8, v2;
	v1 =	vmul.u32 $0x8, v1;
	s24 =	simm.s32 $0x2080;
	s26 =	simm.s32 $0x2880;
	s1 =	simm.s32 $0x5080  }
.LBB2_1:
0x14: {  	s20 =	rddreg [dreg:$0x2]  }
0x15: {  	[tilespmem:s2], [sflag:$0x3] =	stream.linear.gather [hbm4b:s20+s2], $0x80, $0x38;
	[tilespmem:$0x10080] =	vst v63  }
0x16: {  	_ =	swait.ge [sflag:s8], $0x80  }
0x17: {  	[sflag:s8] =	ssyncset.done $0x0  }
0x18: {  	[sflag:s8] =	ssyncadd.s32 $0xFFFFFF80  }
0x19: {  	v3 =	vld [tilespmem:$0x0];
	_ =	sdelay $0x4  }
0x1a: {  	v4 =	vshll.u32 v3, $0x3  }
0x1b: {  	v3 =	vand.u32 $0x7, v3;
	v4 =	vand.u32 $0xFFFFFFC0, v4  }
0x1c: {  	v3 =	vor.u32 v3, v4  }
0x1d: {  	v4 =	vperm.xlane v3, v0;
	_ =	sdelay $0x1  }
0x1e: {  	v4 =	vadd.s32 v1, v4;
	_ =	sdelay $0x4  }
0x1f: {  	[tilespmem:s25], [sflag:$0x1] =	stream.indirect_vreg.gather [hbm4b:s3+s2], $0x80, v4, vm0, $0xb8;
	[tilespmem:$0x10080] =	vst v63  }
0x20: {  	v3 =	vperm.xlane v3, v2  }
0x21: {  	[tilespmem:s21], [sflag:$0x1] =	stream.indirect_vreg.gather [hbm4b:s4+s2], $0x80, v4, vm0, $0xb8;
	[tilespmem:$0x10080] =	vst v63  }
0x22: {  	v3 =	vadd.s32 v1, v3  }
0x23: {  	[tilespmem:s22], [sflag:$0x1] =	stream.indirect_vreg.gather [hbm4b:s5+s2], $0x80, v4, vm0, $0xb8;
	[tilespmem:$0x10080] =	vst v63  }
0x24: {  	_ = 	snop  }
0x25: {  	[tilespmem:s23], [sflag:$0x1] =	stream.indirect_vreg.gather [hbm4b:s6+s2], $0x80, v4, vm0, $0xb8;
	[tilespmem:$0x10080] =	vst v63  }
0x26: {  	_ = 	snop  }
0x27: {  	[tilespmem:s24], [sflag:$0x1] =	stream.indirect_vreg.gather [hbm4b:s3+s2], $0x80, v3, vm0, $0xb8;
	[tilespmem:$0x10080] =	vst v63  }
0x28: {  	_ = 	snop  }
0x29: {  	[tilespmem:s26], [sflag:$0x1] =	stream.indirect_vreg.gather [hbm4b:s4+s2], $0x80, v3, vm0, $0xb8;
	[tilespmem:$0x10080] =	vst v63  }
0x2a: {  	_ = 	snop  }
0x2b: {  	[tilespmem:s28], [sflag:$0x1] =	stream.indirect_vreg.gather [hbm4b:s5+s2], $0x80, v3, vm0, $0xb8;
	[tilespmem:$0x10080] =	vst v63  }
0x2c: {  	_ = 	snop  }
0x2d: {  	[tilespmem:s29], [sflag:$0x1] =	stream.indirect_vreg.gather [hbm4b:s6+s2], $0x80, v3, vm0, $0xb8;
	[tilespmem:$0x10080] =	vst v63  }
0x2e: {  	v3 =	vld [tilespmem:$0x10];
	_ =	sdelay $0x4  }
0x2f: {  	v57 =	vshll.u32 v3, $0x3  }
0x30: {  	v3 =	vand.u32 $0x7, v3;
	v4 =	vand.u32 $0xFFFFFFC0, v57  }
0x31: {  	v3 =	vor.u32 v3, v4  }
0x32: {  	v4 =	vperm.xlane v3, v0;
	_ =	sdelay $0x1  }
0x33: {  	v4 =	vadd.s32 v1, v4;
	_ =	sdelay $0x4  }
0x34: {  	[tilespmem:s30], [sflag:$0x1] =	stream.indirect_vreg.gather [hbm4b:s3+s2], $0x80, v4, vm0, $0xb8;
	[tilespmem:$0x10080] =	vst v63  }
0x35: {  	v3 =	vperm.xlane v3, v2  }
0x36: {  	[tilespmem:s31], [sflag:$0x1] =	stream.indirect_vreg.gather [hbm4b:s4+s2], $0x80, v4, vm0, $0xb8;
	[tilespmem:$0x10080] =	vst v63  }
0x37: {  	v3 =	vadd.s32 v1, v3  }
0x38: {  	[tilespmem:s1], [sflag:$0x1] =	stream.indirect_vreg.gather [hbm4b:s5+s2], $0x80, v4, vm0, $0xb8;
	[tilespmem:$0x10080] =	vst v63  }
0x39: {  	s0 =	simm.s32 $0x5880  }
0x3a: {  	[tilespmem:s0], [sflag:$0x1] =	stream.indirect_vreg.gather [hbm4b:s6+s2], $0x80, v4, vm0, $0xb8;
	[tilespmem:$0x10080] =	vst v63  }
0x3b: {  	_ = 	snop  }
0x3c: {  	[tilespmem:s10], [sflag:$0x1] =	stream.indirect_vreg.gather [hbm4b:s3+s2], $0x80, v3, vm0, $0xb8;
	[tilespmem:$0x10080] =	vst v63  }
0x3d: {  	_ = 	snop  }
0x3e: {  	[tilespmem:s11], [sflag:$0x1] =	stream.indirect_vreg.gather [hbm4b:s4+s2], $0x80, v3, vm0, $0xb8;
	[tilespmem:$0x10080] =	vst v63  }
0x3f: {  	_ = 	snop  }
0x40: {  	[tilespmem:s12], [sflag:$0x1] =	stream.indirect_vreg.gather [hbm4b:s5+s2], $0x80, v3, vm0, $0xb8;
	[tilespmem:$0x10080] =	vst v63  }
0x41: {  	_ = 	snop  }
0x42: {  	[tilespmem:s13], [sflag:$0x1] =	stream.indirect_vreg.gather [hbm4b:s6+s2], $0x80, v3, vm0, $0xb8;
	[tilespmem:$0x10080] =	vst v63  }
0x43: {  	v3 =	vld [tilespmem:$0x20];
	_ =	sdelay $0x4  }
0x44: {  	v58 =	vshll.u32 v3, $0x3  }
0x45: {  	v3 =	vand.u32 $0x7, v3;
	v4 =	vand.u32 $0xFFFFFFC0, v58  }
0x46: {  	v3 =	vor.u32 v3, v4  }
0x47: {  	v4 =	vperm.xlane v3, v0;
	_ =	sdelay $0x1  }
0x48: {  	v4 =	vadd.s32 v1, v4;
	_ =	sdelay $0x4  }
0x49: {  	[tilespmem:s18], [sflag:$0x2] =	stream.indirect_vreg.gather [hbm4b:s3+s2], $0x80, v4, vm0, $0xb8;
	[tilespmem:$0x10080] =	vst v63  }
0x4a: {  	v3 =	vperm.xlane v3, v2  }
0x4b: {  	[tilespmem:s14], [sflag:$0x2] =	stream.indirect_vreg.gather [hbm4b:s4+s2], $0x80, v4, vm0, $0xb8;
	[tilespmem:$0x10080] =	vst v63  }
0x4c: {  	v3 =	vadd.s32 v1, v3  }
0x4d: {  	[tilespmem:s15], [sflag:$0x2] =	stream.indirect_vreg.gather [hbm4b:s5+s2], $0x80, v4, vm0, $0xb8;
	[tilespmem:$0x10080] =	vst v63  }
0x4e: {  	_ = 	snop  }
0x4f: {  	[tilespmem:s16], [sflag:$0x2] =	stream.indirect_vreg.gather [hbm4b:s6+s2], $0x80, v4, vm0, $0xb8;
	[tilespmem:$0x10080] =	vst v63  }
0x50: {  	_ = 	snop  }
0x51: {  	[tilespmem:s17], [sflag:$0x2] =	stream.indirect_vreg.gather [hbm4b:s3+s2], $0x80, v3, vm0, $0xb8;
	[tilespmem:$0x10080] =	vst v63  }
0x52: {  	s20 =	simm.s32 $0xA880  }
0x53: {  	[tilespmem:s20], [sflag:$0x2] =	stream.indirect_vreg.gather [hbm4b:s4+s2], $0x80, v3, vm0, $0xb8;
	[tilespmem:$0x10080] =	vst v63  }
0x54: {  	s20 =	simm.s32 $0xB080  }
0x55: {  	[tilespmem:s20], [sflag:$0x2] =	stream.indirect_vreg.gather [hbm4b:s5+s2], $0x80, v3, vm0, $0xb8;
	[tilespmem:$0x10080] =	vst v63  }
0x56: {  	s20 =	simm.s32 $0xB880  }
0x57: {  	[tilespmem:s20], [sflag:$0x2] =	stream.indirect_vreg.gather [hbm4b:s6+s2], $0x80, v3, vm0, $0xb8;
	[tilespmem:$0x10080] =	vst v63  }
0x58: {  	v3 =	vld [tilespmem:$0x30];
	_ =	sdelay $0x4  }
0x59: {  	v59 =	vshll.u32 v3, $0x3  }
0x5a: {  	v3 =	vand.u32 $0x7, v3;
	v4 =	vand.u32 $0xFFFFFFC0, v59  }
0x5b: {  	v3 =	vor.u32 v3, v4  }
0x5c: {  	v4 =	vperm.xlane v3, v0;
	_ =	sdelay $0x1  }
0x5d: {  	v4 =	vadd.s32 v1, v4;
	_ =	sdelay $0x3  }
0x5e: {  	s20 =	simm.s32 $0xC080  }
0x5f: {  	[tilespmem:s20], [sflag:$0x2] =	stream.indirect_vreg.gather [hbm4b:s3+s2], $0x80, v4, vm0, $0xb8;
	[tilespmem:$0x10080] =	vst v63  }
0x60: {  	v3 =	vperm.xlane v3, v2;
	s20 =	simm.s32 $0xC880  }
0x61: {  	[tilespmem:s20], [sflag:$0x2] =	stream.indirect_vreg.gather [hbm4b:s4+s2], $0x80, v4, vm0, $0xb8;
	[tilespmem:$0x10080] =	vst v63  }
0x62: {  	v3 =	vadd.s32 v1, v3;
	s20 =	simm.s32 $0xD080  }
0x63: {  	[tilespmem:s20], [sflag:$0x2] =	stream.indirect_vreg.gather [hbm4b:s5+s2], $0x80, v4, vm0, $0xb8;
	[tilespmem:$0x10080] =	vst v63  }
0x64: {  	s20 =	simm.s32 $0xD880  }
0x65: {  	[tilespmem:s20], [sflag:$0x2] =	stream.indirect_vreg.gather [hbm4b:s6+s2], $0x80, v4, vm0, $0xb8;
	[tilespmem:$0x10080] =	vst v63  }
0x66: {  	s20 =	simm.s32 $0xE080  }
0x67: {  	[tilespmem:s20], [sflag:$0x2] =	stream.indirect_vreg.gather [hbm4b:s3+s2], $0x80, v3, vm0, $0xb8;
	[tilespmem:$0x10080] =	vst v63  }
0x68: {  	s20 =	simm.s32 $0xE880  }
0x69: {  	[tilespmem:s20], [sflag:$0x2] =	stream.indirect_vreg.gather [hbm4b:s4+s2], $0x80, v3, vm0, $0xb8;
	[tilespmem:$0x10080] =	vst v63  }
0x6a: {  	s20 =	simm.s32 $0xF080  }
0x6b: {  	[tilespmem:s20], [sflag:$0x2] =	stream.indirect_vreg.gather [hbm4b:s5+s2], $0x80, v3, vm0, $0xb8;
	[tilespmem:$0x10080] =	vst v63  }
0x6c: {  	s20 =	simm.s32 $0xF880  }
0x6d: {  	[tilespmem:s20], [sflag:$0x2] =	stream.indirect_vreg.gather [hbm4b:s6+s2], $0x80, v3, vm0, $0xb8;
	[tilespmem:$0x10080] =	vst v63  }
0x6e: {  	_ =	swait.ge [sflag:s9], $0x8000  }
0x6f: {  	[sflag:s9] =	ssyncset.done $0x0  }
0x70: {  	s20 =	rddreg [dreg:$0x3];
	[sflag:s9] =	ssyncadd.s32 $0xFFFF8000  }
0x71: {  	[hbm4b:s20+s2] =	stream.linear.scatter [tilespmem:s25], [sflag:$0x3], $0x8000, $0x38;
	[tilespmem:$0x10080] =	vst v63  }
0x72: {  	_ =	swait.ge [sflag:s8], $0x8000  }
0x73: {  	[sflag:s8] =	ssyncset.done $0x0  }
0x74: {  	[sflag:s8] =	ssyncadd.s32 $0xFFFF8000  }
0x75: {  	v3 =	vld [tilespmem:$0x40];
	_ =	sdelay $0x4  }
0x76: {  	v60 =	vshll.u32 v3, $0x3  }
0x77: {  	v3 =	vand.u32 $0x7, v3;
	v4 =	vand.u32 $0xFFFFFFC0, v60  }
0x78: {  	v3 =	vor.u32 v3, v4  }
0x79: {  	v4 =	vperm.xlane v3, v0;
	_ =	sdelay $0x1  }
0x7a: {  	v4 =	vadd.s32 v1, v4;
	_ =	sdelay $0x4  }
0x7b: {  	[tilespmem:s25], [sflag:$0x1] =	stream.indirect_vreg.gather [hbm4b:s3+s2], $0x80, v4, vm0, $0xb8;
	[tilespmem:$0x10080] =	vst v63  }
0x7c: {  	v3 =	vperm.xlane v3, v2  }
0x7d: {  	[tilespmem:s21], [sflag:$0x1] =	stream.indirect_vreg.gather [hbm4b:s4+s2], $0x80, v4, vm0, $0xb8;
	[tilespmem:$0x10080] =	vst v63  }
0x7e: {  	v3 =	vadd.s32 v1, v3  }
0x7f: {  	[tilespmem:s22], [sflag:$0x1] =	stream.indirect_vreg.gather [hbm4b:s5+s2], $0x80, v4, vm0, $0xb8;
	[tilespmem:$0x10080] =	vst v63  }
0x80: {  	_ = 	snop  }
0x81: {  	[tilespmem:s23], [sflag:$0x1] =	stream.indirect_vreg.gather [hbm4b:s6+s2], $0x80, v4, vm0, $0xb8;
	[tilespmem:$0x10080] =	vst v63  }
0x82: {  	_ = 	snop  }
0x83: {  	[tilespmem:s24], [sflag:$0x1] =	stream.indirect_vreg.gather [hbm4b:s3+s2], $0x80, v3, vm0, $0xb8;
	[tilespmem:$0x10080] =	vst v63  }
0x84: {  	_ = 	snop  }
0x85: {  	[tilespmem:s26], [sflag:$0x1] =	stream.indirect_vreg.gather [hbm4b:s4+s2], $0x80, v3, vm0, $0xb8;
	[tilespmem:$0x10080] =	vst v63  }
0x86: {  	_ = 	snop  }
0x87: {  	[tilespmem:s28], [sflag:$0x1] =	stream.indirect_vreg.gather [hbm4b:s5+s2], $0x80, v3, vm0, $0xb8;
	[tilespmem:$0x10080] =	vst v63  }
0x88: {  	_ = 	snop  }
0x89: {  	[tilespmem:s29], [sflag:$0x1] =	stream.indirect_vreg.gather [hbm4b:s6+s2], $0x80, v3, vm0, $0xb8;
	[tilespmem:$0x10080] =	vst v63  }
0x8a: {  	v3 =	vld [tilespmem:$0x50];
	_ =	sdelay $0x4  }
0x8b: {  	v61 =	vshll.u32 v3, $0x3  }
0x8c: {  	v3 =	vand.u32 $0x7, v3;
	v4 =	vand.u32 $0xFFFFFFC0, v61  }
0x8d: {  	v3 =	vor.u32 v3, v4  }
0x8e: {  	v4 =	vperm.xlane v3, v0;
	_ =	sdelay $0x1  }
0x8f: {  	v4 =	vadd.s32 v1, v4;
	_ =	sdelay $0x4  }
0x90: {  	[tilespmem:s30], [sflag:$0x1] =	stream.indirect_vreg.gather [hbm4b:s3+s2], $0x80, v4, vm0, $0xb8;
	[tilespmem:$0x10080] =	vst v63  }
0x91: {  	v3 =	vperm.xlane v3, v2  }
0x92: {  	[tilespmem:s31], [sflag:$0x1] =	stream.indirect_vreg.gather [hbm4b:s4+s2], $0x80, v4, vm0, $0xb8;
	[tilespmem:$0x10080] =	vst v63  }
0x93: {  	v3 =	vadd.s32 v1, v3  }
0x94: {  	[tilespmem:s1], [sflag:$0x1] =	stream.indirect_vreg.gather [hbm4b:s5+s2], $0x80, v4, vm0, $0xb8;
	[tilespmem:$0x10080] =	vst v63  }
0x95: {  	_ = 	snop  }
0x96: {  	[tilespmem:s0], [sflag:$0x1] =	stream.indirect_vreg.gather [hbm4b:s6+s2], $0x80, v4, vm0, $0xb8;
	[tilespmem:$0x10080] =	vst v63  }
0x97: {  	_ = 	snop  }
0x98: {  	[tilespmem:s10], [sflag:$0x1] =	stream.indirect_vreg.gather [hbm4b:s3+s2], $0x80, v3, vm0, $0xb8;
	[tilespmem:$0x10080] =	vst v63  }
0x99: {  	_ = 	snop  }
0x9a: {  	[tilespmem:s11], [sflag:$0x1] =	stream.indirect_vreg.gather [hbm4b:s4+s2], $0x80, v3, vm0, $0xb8;
	[tilespmem:$0x10080] =	vst v63  }
0x9b: {  	_ = 	snop  }
0x9c: {  	[tilespmem:s12], [sflag:$0x1] =	stream.indirect_vreg.gather [hbm4b:s5+s2], $0x80, v3, vm0, $0xb8;
	[tilespmem:$0x10080] =	vst v63  }
0x9d: {  	_ = 	snop  }
0x9e: {  	[tilespmem:s13], [sflag:$0x1] =	stream.indirect_vreg.gather [hbm4b:s6+s2], $0x80, v3, vm0, $0xb8;
	[tilespmem:$0x10080] =	vst v63  }
0x9f: {  	_ =	swait.ge [sflag:s19], $0x8000  }
0xa0: {  	[sflag:s19] =	ssyncset.done $0x0  }
0xa1: {  	s0 =	rddreg [dreg:$0x4];
	[sflag:s19] =	ssyncadd.s32 $0xFFFF8000  }
0xa2: {  	[hbm4b:s0+s2] =	stream.linear.scatter [tilespmem:s18], [sflag:$0x3], $0x8000, $0x38;
	[tilespmem:$0x10080] =	vst v63  }
0xa3: {  	_ =	swait.ge [sflag:s8], $0x8000  }
0xa4: {  	[sflag:s8] =	ssyncset.done $0x0  }
0xa5: {  	[sflag:s8] =	ssyncadd.s32 $0xFFFF8000  }
0xa6: {  	v3 =	vld [tilespmem:$0x60];
	_ =	sdelay $0x4  }
0xa7: {  	v62 =	vshll.u32 v3, $0x3  }
0xa8: {  	v3 =	vand.u32 $0x7, v3;
	v4 =	vand.u32 $0xFFFFFFC0, v62  }
0xa9: {  	v3 =	vor.u32 v3, v4  }
0xaa: {  	v4 =	vperm.xlane v3, v0;
	_ =	sdelay $0x1  }
0xab: {  	v4 =	vadd.s32 v1, v4;
	_ =	sdelay $0x4  }
0xac: {  	[tilespmem:s18], [sflag:$0x2] =	stream.indirect_vreg.gather [hbm4b:s3+s2], $0x80, v4, vm0, $0xb8;
	[tilespmem:$0x10080] =	vst v63  }
0xad: {  	v3 =	vperm.xlane v3, v2  }
0xae: {  	[tilespmem:s14], [sflag:$0x2] =	stream.indirect_vreg.gather [hbm4b:s4+s2], $0x80, v4, vm0, $0xb8;
	[tilespmem:$0x10080] =	vst v63  }
0xaf: {  	v3 =	vadd.s32 v1, v3  }
0xb0: {  	[tilespmem:s15], [sflag:$0x2] =	stream.indirect_vreg.gather [hbm4b:s5+s2], $0x80, v4, vm0, $0xb8;
	[tilespmem:$0x10080] =	vst v63  }
0xb1: {  	_ = 	snop  }
0xb2: {  	[tilespmem:s16], [sflag:$0x2] =	stream.indirect_vreg.gather [hbm4b:s6+s2], $0x80, v4, vm0, $0xb8;
	[tilespmem:$0x10080] =	vst v63  }
0xb3: {  	_ = 	snop  }
0xb4: {  	[tilespmem:s17], [sflag:$0x2] =	stream.indirect_vreg.gather [hbm4b:s3+s2], $0x80, v3, vm0, $0xb8;
	[tilespmem:$0x10080] =	vst v63  }
0xb5: {  	s20 =	simm.s32 $0xA880  }
0xb6: {  	[tilespmem:s20], [sflag:$0x2] =	stream.indirect_vreg.gather [hbm4b:s4+s2], $0x80, v3, vm0, $0xb8;
	[tilespmem:$0x10080] =	vst v63  }
0xb7: {  	s20 =	simm.s32 $0xB080  }
0xb8: {  	[tilespmem:s20], [sflag:$0x2] =	stream.indirect_vreg.gather [hbm4b:s5+s2], $0x80, v3, vm0, $0xb8;
	[tilespmem:$0x10080] =	vst v63  }
0xb9: {  	s20 =	simm.s32 $0xB880  }
0xba: {  	[tilespmem:s20], [sflag:$0x2] =	stream.indirect_vreg.gather [hbm4b:s6+s2], $0x80, v3, vm0, $0xb8;
	[tilespmem:$0x10080] =	vst v63  }
0xbb: {  	v3 =	vld [tilespmem:$0x70];
	_ =	sdelay $0x4  }
0xbc: {  	v63 =	vshll.u32 v3, $0x3  }
0xbd: {  	v3 =	vand.u32 $0x7, v3;
	v4 =	vand.u32 $0xFFFFFFC0, v63  }
0xbe: {  	v3 =	vor.u32 v3, v4  }
0xbf: {  	v4 =	vperm.xlane v3, v0;
	_ =	sdelay $0x1  }
0xc0: {  	v4 =	vadd.s32 v1, v4;
	_ =	sdelay $0x3  }
0xc1: {  	s20 =	simm.s32 $0xC080  }
0xc2: {  	[tilespmem:s20], [sflag:$0x2] =	stream.indirect_vreg.gather [hbm4b:s3+s2], $0x80, v4, vm0, $0xb8;
	[tilespmem:$0x10080] =	vst v63  }
0xc3: {  	v3 =	vperm.xlane v3, v2;
	s20 =	simm.s32 $0xC880  }
0xc4: {  	[tilespmem:s20], [sflag:$0x2] =	stream.indirect_vreg.gather [hbm4b:s4+s2], $0x80, v4, vm0, $0xb8;
	[tilespmem:$0x10080] =	vst v63  }
0xc5: {  	v3 =	vadd.s32 v1, v3;
	s20 =	simm.s32 $0xD080  }
0xc6: {  	[tilespmem:s20], [sflag:$0x2] =	stream.indirect_vreg.gather [hbm4b:s5+s2], $0x80, v4, vm0, $0xb8;
	[tilespmem:$0x10080] =	vst v63  }
0xc7: {  	s20 =	simm.s32 $0xD880  }
0xc8: {  	[tilespmem:s20], [sflag:$0x2] =	stream.indirect_vreg.gather [hbm4b:s6+s2], $0x80, v4, vm0, $0xb8;
	[tilespmem:$0x10080] =	vst v63  }
0xc9: {  	s20 =	simm.s32 $0xE080  }
0xca: {  	[tilespmem:s20], [sflag:$0x2] =	stream.indirect_vreg.gather [hbm4b:s3+s2], $0x80, v3, vm0, $0xb8;
	[tilespmem:$0x10080] =	vst v63  }
0xcb: {  	s20 =	simm.s32 $0xE880  }
0xcc: {  	[tilespmem:s20], [sflag:$0x2] =	stream.indirect_vreg.gather [hbm4b:s4+s2], $0x80, v3, vm0, $0xb8;
	[tilespmem:$0x10080] =	vst v63  }
0xcd: {  	s20 =	simm.s32 $0xF080  }
0xce: {  	[tilespmem:s20], [sflag:$0x2] =	stream.indirect_vreg.gather [hbm4b:s5+s2], $0x80, v3, vm0, $0xb8;
	[tilespmem:$0x10080] =	vst v63  }
0xcf: {  	s20 =	simm.s32 $0xF880  }
0xd0: {  	[tilespmem:s20], [sflag:$0x2] =	stream.indirect_vreg.gather [hbm4b:s6+s2], $0x80, v3, vm0, $0xb8;
	[tilespmem:$0x10080] =	vst v63  }
0xd1: {  	_ =	swait.ge [sflag:s9], $0x8000  }
0xd2: {  	[sflag:s9] =	ssyncset.done $0x0  }
0xd3: {  	s0 =	rddreg [dreg:$0x5];
	[sflag:s9] =	ssyncadd.s32 $0xFFFF8000  }
0xd4: {  	[hbm4b:s0+s2] =	stream.linear.scatter [tilespmem:s25], [sflag:$0x3], $0x8000, $0x38;
	[tilespmem:$0x10080] =	vst v63  }
0xd5: {  	_ =	swait.ge [sflag:s8], $0x8000  }
0xd6: {  	[sflag:s8] =	ssyncset.done $0x0  }
0xd7: {  	[sflag:s8] =	ssyncadd.s32 $0xFFFF8000  }
0xd8: {  	_ =	swait.ge [sflag:s19], $0x8000  }
0xd9: {  	p0 =	sne.s32 s7, $0x1;
	[sflag:s19] =	ssyncset.done $0x0  }
.Ltmp0:
0xda: {  	s0 =	rddreg [dreg:$0x6];
	[sflag:s19] =	ssyncadd.s32 $0xFFFF8000;
	(pc) =	sbr.rel @p0 .LBB2_1-.Ltmp0, $4  }
0xdb: {  	[hbm4b:s0+s2] =	stream.linear.scatter [tilespmem:s18], [sflag:$0x3], $0x8000, $0x38;
	[tilespmem:$0x10080] =	vst v63  }
0xdc: {  	_ =	swait.ge [sflag:s8], $0x8000  }
0xdd: {  	[sflag:s8] =	ssyncset.done $0x0  }
0xde: {  	s7 =	sadd.s32 $0xFFFFFFFF, s7;
	[sflag:s8] =	ssyncadd.s32 $0xFFFF8000  }
0xdf: {  	_ =	sfence.sel $0x180000  }
0xe0: {  	[bflag:$0x0] =	sbarrier.arrive $0xFFFF  }
0xe1: {  	_ =	strace $0x9000004D  }
0xe2: {  	s0 =	stileid.u32;
	[bflag:$0x2] =	sbarrier.arrive $0xFFFF  }
0xe3: {  	p0 =	sne.s32 s0, $0x0;
	s0 =	rddreg [dreg:$0x1]  }
0xe4: {  	s0 =	sadd.s32 @!p0 $0x100000, s0  }
0xe5: {  	[sflag:s0] =	ssyncadd.tile.s32 @!p0 $0x1;
	_ =	shalt  }
.Lfunc_end2:
_tile_overlayer_lowered:
.L_overlay_start_2:
0xe6: {  	(tag) =	ssettag $0x2  }
0xe7: {  	s0 =	rddreg [dreg:$0x0];
	s2 =	stileid.u32  }
0xe8: {  	s1 =	rddreg [dreg:$0x1];
	p0 =	sne.s32 s2, $0x0  }
0xe9: {  	s3 =	rddreg [dreg:$0x2];
	[bflag:$0x3] =	sbarrier.arrive $0xFFFF;
	s2 =	simm.s32 @!p0 $0x1C03  }
0xea: {  	[timem:s3], [sflag:s2] =	dma.local @!p0 [hbm:s0], s1  }
0xeb: {  	s0 =	simm.s32 @!p0 $0x3  }
0xec: {  	_ =	swait.ge @!p0 [sflag:s0], s1  }
0xed: {  	s1 =	ssub.s32 @!p0 $0x0, s1;
	[sflag:s0] =	ssyncset.done @!p0 $0x0  }
0xee: {  	[sflag:s0] =	ssyncadd.s32 @!p0 s1  }
0xef: {  	[bflag:$0x3] =	sbarrier.arrive $0xFFFF  }
0xf0: {  	_ =	shalt  }

// kernel: kernel.7.cloned.1.call-start
scs
__scs_entry_jumppad:
0x0: {  	(pc) =	sbr.rel $0x88, $3  }
0x1: {  	(tag) =	ssettag $0x0;
	lr =	simm.s32 $0x1  }
0x2: {  	[smem:$0x3F9C] =	sst lr;
	_ =	strace $0xD0000000  }
0x3: {  	_ = 	snop  }
0x4: {  	_ = 	snop  }
0x5: {  	_ = 	snop  }
0x6: {  	_ = 	snop  }
0x7: {  	_ = 	snop  }
__scs_overlays_trampoline_lowered:
0x8: {  	[smem:$0x3FAB] =	sst s0  }
0x9: {  	[smem:$0x3FAC] =	sst s1  }
0xa: {  	[smem:$0x3FAD] =	sst s2  }
0xb: {  	[smem:$0x3FAE] =	sst s3  }
0xc: {  	[smem:$0x3FAF] =	sst s4  }
0xd: {  	[smem:$0x3FB0] =	sst s5  }
0xe: {  	[smem:$0x3FB1] =	sst s6  }
0xf: {  	[smem:$0x3FB2] =	sst s7  }
0x10: {  	[smem:$0x3FB3] =	sst s8  }
0x11: {  	[smem:$0x3FB4] =	sst s9;
	s0 =	simm.s32 @!p0 $0x0  }
0x12: {  	s1 =	sld [smem:$0x3F9A];
	s0 =	simm.s32 @p0 $0x1  }
0x13: {  	[smem:$0x3FB5] =	sst s0;
	s0 =	simm.s32 @!p1 $0x0  }
0x14: {  	s2 =	sld [smem:$0x3F99];
	s0 =	simm.s32 @p1 $0x1  }
0x15: {  	[smem:$0x3FB6] =	sst s0;
	s0 =	simm.s32 @!p2 $0x0  }
0x16: {  	s3 =	sld [smem:$0x3FDB];
	s0 =	simm.s32 @p2 $0x1  }
0x17: {  	s4 =	simm.s32 $0x1BF5;
	[smem:$0x3FB8] =	sst s0  }
0x18: {  	s0 =	sld [smem:$0x3F9B];
	_ =	swait.ge [sflag:s4], $0x0  }
0x19: {  	s7 =	sld [smem:$0x3F9C]  }
0x1a: {  	s8 =	sadd.s32 $0xFFFFE003, lr  }
0x1b: {  	s9 =	sadd.s32 $0xFFFFFEF7, lr;
	s5 =	simm.s32 $0xFFFFFFFF;
	p2 =	slt.u32 s8, $0xFFFFF086  }
0x1c: {  	p1 =	slt.u32 s9, $0xF7A;
	s5 =	simm.s32 @!p2 $0x0  }
0x1d: {  	s5 =	simm.s32 @p1 $0x1;
	p0 =	seq.s32 s7, s2  }
0x1e: {  	s7 =	smul.u32 @!p0 $0xF7A, s2;
	p2 =	seq.s32 @!p0 s5, $0x0  }
0x1f: {  	s9 =	smul.u32 $0xF7A, s1;
	s8 =	simm.s32 @!p0 $0x1BF5;
	p2 =	por !p2, p0  }
0x20: {  	[sflag:s8] =	ssyncset.s32 @!p0 $0xFFFFF086;
	s6 =	sadd.s32 @!p0 s3, s7;
	s7 =	simm.s32 @!p0 $0x108  }
0x21: {  	s3 =	sadd.s32 s3, s9;
	s6 =	sadd.s32 @!p0 $0x88, s6;
	s7 =	simm.s32 @p2 $0x1082  }
0x22: {  	[simem:s7], [sflag:s8] =	dma.local @!p0 [hbm:s6], $0xF7A  }
0x23: {  	s9 =	sor.u32 $0xD0000000, s2;
	s6 =	simm.s32 $0x108;
	_ =	swait.ge @!p0 [sflag:s8], $0x0  }
0x24: {  	s3 =	sadd.s32 $0x88, s3;
	s6 =	simm.s32 @!p1 $0x1082;
	[sflag:s4] =	ssyncset.s32 $0xFFFFF086  }
0x25: {  	[simem:s6], [sflag:s4] =	dma.local [hbm:s3], $0xF7A  }
0x26: {  	[smem:$0x3F9C] =	sst s1;
	(tag) =	ssettag s2;
	_ =	strace s9  }
0x27: {  	s1 =	sld [smem:$0x3FAC]  }
0x28: {  	s2 =	sld [smem:$0x3FAD]  }
0x29: {  	s4 =	sld [smem:$0x3FAF]  }
0x2a: {  	p0 =	seq.s32 s5, $0x0;
	s5 =	sld [smem:$0x3FB0]  }
0x2b: {  	s6 =	sld [smem:$0x3FB1]  }
0x2c: {  	s7 =	sld [smem:$0x3FB2]  }
0x2d: {  	s3 =	simm.s32 $0x108;
	s8 =	sld [smem:$0x3FB3]  }
0x2e: {  	s3 =	simm.s32 @!p0 $0x1082;
	s9 =	sld [smem:$0x3FB4]  }
0x2f: {  	lr =	sadd.s32 s0, s3;
	s0 =	sld [smem:$0x3FAB]  }
0x30: {  	s3 =	sld [smem:$0x3FAE]  }
0x31: {  	[smem:$0x3FB7] =	sst s10  }
0x32: {  	s10 =	sld [smem:$0x3FB5];
	_ =	sdelay $0x3  }
0x33: {  	p0 =	seq.s32 s10, $0x1;
	s10 =	sld [smem:$0x3FB7];
	_ =	sdelay $0x3  }
0x34: {  	[smem:$0x3FB7] =	sst s10  }
0x35: {  	s10 =	sld [smem:$0x3FB6];
	_ =	sdelay $0x3  }
0x36: {  	p1 =	seq.s32 s10, $0x1;
	s10 =	sld [smem:$0x3FB7];
	_ =	sdelay $0x3  }
0x37: {  	[smem:$0x3FB7] =	sst s10  }
0x38: {  	s10 =	sld [smem:$0x3FB8]  }
0x39: {  	_ = 	snop;
	(pc) =	sbr.ind lr, $3  }
0x3a: {  	_ = 	snop  }
0x3b: {  	_ = 	snop  }
0x3c: {  	p2 =	seq.s32 s10, $0x1;
	s10 =	sld [smem:$0x3FB7]  }
0x3d: {  	_ =	shalt  }
0x3e: {  	_ =	shalt  }
0x3f: {  	_ =	shalt  }
0x40: {  	_ =	shalt  }
0x41: {  	_ =	shalt  }
0x42: {  	_ =	shalt  }
0x43: {  	_ =	shalt  }
0x44: {  	_ =	shalt  }
0x45: {  	_ =	shalt  }
0x46: {  	_ =	shalt  }
0x47: {  	_ =	shalt  }
0x48: {  	_ =	shalt  }
0x49: {  	_ =	shalt  }
0x4a: {  	_ =	shalt  }
0x4b: {  	_ =	shalt  }
0x4c: {  	_ =	shalt  }
0x4d: {  	_ =	shalt  }
0x4e: {  	_ =	shalt  }
0x4f: {  	_ =	shalt  }
0x50: {  	_ =	shalt  }
0x51: {  	_ =	shalt  }
0x52: {  	_ =	shalt  }
0x53: {  	_ =	shalt  }
0x54: {  	_ =	shalt  }
0x55: {  	_ =	shalt  }
0x56: {  	_ =	shalt  }
0x57: {  	_ =	shalt  }
0x58: {  	_ =	shalt  }
0x59: {  	_ =	shalt  }
0x5a: {  	_ =	shalt  }
0x5b: {  	_ =	shalt  }
0x5c: {  	_ =	shalt  }
0x5d: {  	_ =	shalt  }
0x5e: {  	_ =	shalt  }
0x5f: {  	_ =	shalt  }
0x60: {  	_ =	shalt  }
0x61: {  	_ =	shalt  }
0x62: {  	_ =	shalt  }
0x63: {  	_ =	shalt  }
0x64: {  	_ =	shalt  }
0x65: {  	_ =	shalt  }
0x66: {  	_ =	shalt  }
0x67: {  	_ =	shalt  }
0x68: {  	_ =	shalt  }
0x69: {  	_ =	shalt  }
0x6a: {  	_ =	shalt  }
0x6b: {  	_ =	shalt  }
0x6c: {  	_ =	shalt  }
0x6d: {  	_ =	shalt  }
0x6e: {  	_ =	shalt  }
0x6f: {  	_ =	shalt  }
0x70: {  	_ =	shalt  }
0x71: {  	_ =	shalt  }
0x72: {  	_ =	shalt  }
0x73: {  	_ =	shalt  }
0x74: {  	_ =	shalt  }
0x75: {  	_ =	shalt  }
0x76: {  	_ =	shalt  }
0x77: {  	_ =	shalt  }
0x78: {  	_ =	shalt  }
0x79: {  	_ =	shalt  }
0x7a: {  	_ =	shalt  }
0x7b: {  	_ =	shalt  }
0x7c: {  	_ =	shalt  }
0x7d: {  	_ =	shalt  }
0x7e: {  	_ =	shalt  }
0x7f: {  	_ =	shalt  }
0x80: {  	_ =	shalt  }
0x81: {  	_ =	shalt  }
0x82: {  	_ =	shalt  }
0x83: {  	_ =	shalt  }
0x84: {  	_ =	shalt  }
0x85: {  	_ =	shalt  }
0x86: {  	_ =	shalt  }
0x87: {  	_ =	shalt  }
.Lfunc_end0:
.L_simem_size_0:
called_computation.1_lowered:
.L_overlay_start_0:
0x88: {  	s2 =	sld [smem:$0x3FD9]  }
0x89: {  	s3 =	sld [smem:$0x3FFE];
	_ =	sdelay $0x1  }
0x8a: {  	s1 =	srdreg.scid  }
0x8b: {  	s0 =	sand.u32 $0x1, s1  }
0x8c: {  	s17 =	sshll.u32 s0, $0xA;
	s2 =	sadd.s32 s3, s2  }
0x8d: {  	s2 =	sadd.s32 s2, s17  }
0x8e: {  	[smem:$0x3FC3] =	sst s2  }
0x8f: {  	_ = 	snop  }
0x90: {  	s2 =	sld [smem:$0x3FC9]  }
0x91: {  	s18 =	sld [smem:$0x3FD0];
	(tm) =	ssettm $0x1  }
0x92: {  	s4 =	sld [smem:$0x3FFB];
	_ =	sdelay $0x3  }
0x93: {  	_ =	strace s4  }
0x94: {  	s4 =	sld [smem:$0x3FFC];
	_ =	sdelay $0x3  }
0x95: {  	_ =	strace s4  }
0x96: {  	s4 =	sld [smem:$0x3FFD];
	_ =	sdelay $0x3  }
0x97: {  	_ =	strace s4  }
0x98: {  	_ =	strace $0x8FFFFFFF  }
0x99: {  	s19 =	sld [smem:$0x3FDB];
	_ =	sdelay $0x1  }
0x9a: {  	s5 =	simm.s32 $_scs_section_size  }
0x9b: {  	s6 =	simm.s32 $_size__tile_overlayer_lowered;
	s7 =	simm.s32 $_tile_overlayer_lowered  }
0x9c: {  	s22 =	simm.s32 $0x1BFF;
	s21 =	sshll.u32 s7, $0x1;
	s4 =	sadd.s32 s5, s19  }
0x9d: {  	s8 =	simm.s32 $0x0;
	s20 =	sshll.u32 s6, $0x1;
	s6 =	sadd.s32 s21, s4  }
0x9e: {  	[timem:s8], [sflag:s22] =	dma.local [hbm:s6], s20  }
0x9f: {  	_ =	swait.ge [sflag:s22], s20  }
0xa0: {  	s5 =	ssub.s32 $0x0, s20;
	[sflag:s22] =	ssyncset.done $0x0  }
0xa1: {  	[sflag:s22] =	ssyncadd.s32 s5;
	_ =	sdelay $0x1  }
0xa2: {  	s23 =	simm.s32 $0x1B8B  }
0xa3: {  	_ =	swait.ge [sflag:s23], $0x1  }
0xa4: {  	[sflag:s23] =	ssyncset.done $0x0  }
0xa5: {  	s25 =	simm.s32 $0x1B8E;
	s24 =	sld [smem:$0x3FFE];
	[sflag:s23] =	ssyncadd.s32 $0xFFFFFFFF  }
0xa6: {  	s26 =	simm.s32 $execute0_lowered;
	[smem:$0x3FD2] =	sst s25  }
0xa7: {  	s6 =	sshll.u32 s26, $0x1;
	_ =	strace $0x80000049;
	[dreg:$0x1] =	wrdreg $0xFFFFFFFF  }
0xa8: {  	s28 =	simm.s32 $_size_execute0_lowered;
	s4 =	sadd.s32 s4, s6;
	[dreg:$0x0] =	wrdreg $0x0  }
0xa9: {  	s6 =	sshll.u32 s28, $0x1;
	[dreg:$0x2] =	wrdreg s4  }
0xaa: {  	[dreg:$0x3] =	wrdreg s6  }
0xab: {  	[dreg:$0x4] =	wrdreg $0xC0  }
0xac: {  	_ =	task [dreg:s8], $0x5FFFF  }
0xad: {  	[dreg:$0x1] =	wrdreg $0xFFFFFFFF  }
0xae: {  	[dreg:$0x0] =	wrdreg $0x60  }
0xaf: {  	[dreg:$0x2] =	wrdreg s2  }
0xb0: {  	[dreg:$0x3] =	wrdreg s18  }
0xb1: {  	[dreg:$0x4] =	wrdreg s24  }
0xb2: {  	[dreg:$0x5] =	wrdreg $0x9  }
0xb3: {  	_ =	task.clear_ibuf [dreg:s8], $0x6FFFF;
	_ =	strace $0x90000049  }
0xb4: {  	s29 =	simm.s32 $0x9;
	_ =	strace $0x8000004B  }
0xb5: {  	_ =	swait.ge [sflag:s29], $0x1  }
0xb6: {  	[sflag:s29] =	ssyncadd.s32 $0xFFFFFFFF  }
0xb7: {  	_ =	strace $0x9000004B  }
0xb8: {  	_ =	sfence  }
0xb9: {  	s30 =	sld [smem:$0x0];
	_ =	sdelay $0x2  }
0xba: {  	s31 =	sshll.u32 s1, $0xD;
	s1 =	sshrl.u32 s1, $0x2  }
0xbb: {  	s3 =	sand.u32 $0x4000, s31;
	s1 =	sadd.s32 s1, s30  }
0xbc: {  	s0 =	sor.u32 s3, s0;
	s1 =	sshll.u32 s1, $0x11  }
0xbd: {  	s0 =	sor.u32 s1, s0  }
0xbe: {  	s0 =	sadd.s32 $0x8F2B, s0  }
0xbf: {  	[sflag:s0] =	ssyncadd.remote.s32 $0x1  }
0xc0: {  	_ =	sfence.sel $0xFFFF  }
0xc1: {  	[dreg:$0x0] =	wrdreg $0xFFFFFFFF;
	(pc) =	sbr.abs _section_cstart, $3  }
0xc2: {  	[dreg:$0x1] =	wrdreg $0xFFFFFFFF  }
0xc3: {  	_ =	task.clear_ibuf [dreg:s8], $0x2FFFF;
	_ =	strace $0x9FFFFFFF  }
0xc4: {  	(tm) =	ssettm $0x7FFFFFFF  }
0xc5: {  	_ =	shalt  }
tec
execute0_lowered:
.L_overlay_start_1:
0x0: {  	(tag) =	ssettag $0x1  }
0x1: {  	s0 =	rddreg [dreg:$0x0]  }
0x2: {  	s1 =	rddreg [dreg:$0x1]  }
0x3: {  	s4 =	rddreg [dreg:$0x2];
	s2 =	simm.s32 $0x0  }
0x4: {  	s3 =	srdreg.scid;
	s6 =	stileid.u32;
	s26 =	simm.s32 $0x100  }
0x5: {  	s9 =	simm.s32 $0x3;
	s10 =	simm.s32 $0x200;
	s11 =	simm.s32 $0x8200  }
0x6: {  	s12 =	simm.s32 $0x1;
	s29 =	simm.s32 $0x2;
	s18 =	simm.s32 $0xDA00  }
0x7: {  	s19 =	simm.s32 $0xE200;
	s20 =	simm.s32 $0xEA00;
	s21 =	simm.s32 $0xF200  }
0x8: {  	s28 =	simm.s32 $0x2A00;
	s30 =	simm.s32 $0x3200;
	s31 =	simm.s32 $0x3A00  }
0x9: {  	[smem:$0x7FF] =	sst s2;
	s5 =	sand.u32 $0x1, s3;
	s22 =	sshll.u32 s6, $0x1  }
0xa: {  	s3 =	sadd.s32 $0x1400, s4;
	_ =	strace $0x8000004A;
	s6 =	sor.u32 s5, s22  }
0xb: {  	s5 =	ssub.s32 $0x2, s5;
	[dreg:$0x7] =	wrdreg s26;
	s22 =	simm.s32 $0xFA00  }
0xc: {  	s26 =	simm.s32 $0x2200;
	s7 =	sshll.u32 s6, $0x5;
	s8 =	sshrl.u32 s5, $0x1  }
0xd: {  	s6 =	sshll.u32 s6, $0xD;
	s1 =	sadd.s32 s1, s7;
	s23 =	sadd.s32 s4, s7  }
0xe: {  	s6 =	sadd.s32 s0, s6;
	s24 =	ssub.s32 s5, s8;
	[dreg:$0x4] =	wrdreg s1  }
0xf: {  	v2 =	vlaneseq.u32;
	s5 =	sadd.s32 $0x1500, s4;
	s7 =	sadd.s32 $0x1700, s4;
	[dreg:$0x5] =	wrdreg s23  }
0x10: {  	vm0 =	vmmov $0xffff;
	v1 =	vshrl.u32 v2, $0x3;
	[dreg:$0x8] =	wrdreg s6;
	s25 =	sadd.s32 $0x1000, s6;
	s6 =	sadd.s32 $0x1600, s4  }
0x11: {  	v0 =	vand.u32 $0x7, v2;
	v2 =	vor.u32 $0x8, v2;
	v1 =	vmul.u32 $0x8, v1;
	s8 =	smax.u32 s24, $0x1;
	[dreg:$0x6] =	wrdreg s25;
	s25 =	simm.s32 $0x1A00  }
.LBB2_1:
0x12: {  	s23 =	rddreg [dreg:$0x4]  }
0x13: {  	[tilespmem:s2], [sflag:$0x3] =	stream.linear.gather [hbm4b:s23+s2], $0x100, $0x38;
	[tilespmem:$0x10200] =	vst v63  }
0x14: {  	_ =	swait.ge [sflag:s9], $0x100  }
0x15: {  	s15 =	rddreg [dreg:$0x5];
	[sflag:s9] =	ssyncset.done $0x0  }
0x16: {  	s24 =	rddreg [dreg:$0x7];
	[sflag:s9] =	ssyncadd.s32 $0xFFFFFF00  }
0x17: {  	[tilespmem:s24], [sflag:$0x3] =	stream.linear.gather [hbm4b:s15+s2], $0x100, $0x38;
	[tilespmem:$0x10200] =	vst v63  }
0x18: {  	_ =	swait.ge [sflag:s9], $0x100  }
0x19: {  	[sflag:s9] =	ssyncset.done $0x0  }
0x1a: {  	s17 =	rddreg [dreg:$0x8];
	[sflag:s9] =	ssyncadd.s32 $0xFFFFFF00  }
0x1b: {  	[tilespmem:s10], [sflag:$0x1] =	stream.linear.gather [hbm4b:s17+s2], $0x8000, $0x38;
	[tilespmem:$0x10200] =	vst v63  }
0x1c: {  	s16 =	rddreg [dreg:$0x6]  }
0x1d: {  	[tilespmem:s11], [sflag:$0x2] =	stream.linear.gather [hbm4b:s16+s2], $0x8000, $0x38;
	[tilespmem:$0x10200] =	vst v63  }
0x1e: {  	_ =	swait.ge [sflag:s12], $0x8000  }
0x1f: {  	[sflag:s12] =	ssyncset.done $0x0  }
0x20: {  	[sflag:s12] =	ssyncadd.s32 $0xFFFF8000  }
0x21: {  	v3 =	vld [tilespmem:$0x0];
	_ =	sdelay $0x4  }
0x22: {  	v4 =	vshll.u32 v3, $0x3  }
0x23: {  	v3 =	vand.u32 $0x7, v3;
	v4 =	vand.u32 $0xFFFFFFC0, v4  }
0x24: {  	v3 =	vor.u32 v3, v4  }
0x25: {  	v4 =	vperm.xlane v3, v0;
	_ =	sdelay $0x1  }
0x26: {  	v4 =	vadd.s32 v1, v4;
	_ =	sdelay $0x4  }
0x27: {  	[hbm4b:s3+s2] =	stream.indirect_vreg.scatter [tilespmem:s10], [sflag:$0x3], $0x80, v4, vm0, $0xb8;
	[tilespmem:$0x10200] =	vst v63  }
0x28: {  	s23 =	simm.s32 $0xA00;
	v3 =	vperm.xlane v3, v2  }
0x29: {  	[hbm4b:s5+s2] =	stream.indirect_vreg.scatter [tilespmem:s23], [sflag:$0x3], $0x80, v4, vm0, $0xb8;
	[tilespmem:$0x10200] =	vst v63  }
0x2a: {  	s24 =	simm.s32 $0x1200;
	v3 =	vadd.s32 v1, v3  }
0x2b: {  	[hbm4b:s6+s2] =	stream.indirect_vreg.scatter [tilespmem:s24], [sflag:$0x3], $0x80, v4, vm0, $0xb8;
	[tilespmem:$0x10200] =	vst v63  }
0x2c: {  	_ = 	snop  }
0x2d: {  	[hbm4b:s7+s2] =	stream.indirect_vreg.scatter [tilespmem:s25], [sflag:$0x3], $0x80, v4, vm0, $0xb8;
	[tilespmem:$0x10200] =	vst v63  }
0x2e: {  	_ = 	snop  }
0x2f: {  	[hbm4b:s3+s2] =	stream.indirect_vreg.scatter [tilespmem:s26], [sflag:$0x3], $0x80, v3, vm0, $0xb8;
	[tilespmem:$0x10200] =	vst v63  }
0x30: {  	_ = 	snop  }
0x31: {  	[hbm4b:s5+s2] =	stream.indirect_vreg.scatter [tilespmem:s28], [sflag:$0x3], $0x80, v3, vm0, $0xb8;
	[tilespmem:$0x10200] =	vst v63  }
0x32: {  	_ = 	snop  }
0x33: {  	[hbm4b:s6+s2] =	stream.indirect_vreg.scatter [tilespmem:s30], [sflag:$0x3], $0x80, v3, vm0, $0xb8;
	[tilespmem:$0x10200] =	vst v63  }
0x34: {  	_ = 	snop  }
0x35: {  	[hbm4b:s7+s2] =	stream.indirect_vreg.scatter [tilespmem:s31], [sflag:$0x3], $0x80, v3, vm0, $0xb8;
	[tilespmem:$0x10200] =	vst v63  }
0x36: {  	v3 =	vld [tilespmem:$0x10];
	_ =	sdelay $0x4  }
0x37: {  	v57 =	vshll.u32 v3, $0x3  }
0x38: {  	v3 =	vand.u32 $0x7, v3;
	v4 =	vand.u32 $0xFFFFFFC0, v57  }
0x39: {  	v3 =	vor.u32 v3, v4  }
0x3a: {  	v4 =	vperm.xlane v3, v0;
	_ =	sdelay $0x1  }
0x3b: {  	v4 =	vadd.s32 v1, v4;
	_ =	sdelay $0x3  }
0x3c: {  	s0 =	simm.s32 $0x4200  }
0x3d: {  	[hbm4b:s3+s2] =	stream.indirect_vreg.scatter [tilespmem:s0], [sflag:$0x3], $0x80, v4, vm0, $0xb8;
	[tilespmem:$0x10200] =	vst v63  }
0x3e: {  	s1 =	simm.s32 $0x4A00;
	v3 =	vperm.xlane v3, v2  }
0x3f: {  	[hbm4b:s5+s2] =	stream.indirect_vreg.scatter [tilespmem:s1], [sflag:$0x3], $0x80, v4, vm0, $0xb8;
	[tilespmem:$0x10200] =	vst v63  }
0x40: {  	s4 =	simm.s32 $0x5200;
	v3 =	vadd.s32 v1, v3  }
0x41: {  	[hbm4b:s6+s2] =	stream.indirect_vreg.scatter [tilespmem:s4], [sflag:$0x3], $0x80, v4, vm0, $0xb8;
	[tilespmem:$0x10200] =	vst v63  }
0x42: {  	s13 =	simm.s32 $0x5A00  }
0x43: {  	[hbm4b:s7+s2] =	stream.indirect_vreg.scatter [tilespmem:s13], [sflag:$0x3], $0x80, v4, vm0, $0xb8;
	[tilespmem:$0x10200] =	vst v63  }
0x44: {  	s14 =	simm.s32 $0x6200  }
0x45: {  	[hbm4b:s3+s2] =	stream.indirect_vreg.scatter [tilespmem:s14], [sflag:$0x3], $0x80, v3, vm0, $0xb8;
	[tilespmem:$0x10200] =	vst v63  }
0x46: {  	s15 =	simm.s32 $0x6A00  }
0x47: {  	[hbm4b:s5+s2] =	stream.indirect_vreg.scatter [tilespmem:s15], [sflag:$0x3], $0x80, v3, vm0, $0xb8;
	[tilespmem:$0x10200] =	vst v63  }
0x48: {  	s16 =	simm.s32 $0x7200  }
0x49: {  	[hbm4b:s6+s2] =	stream.indirect_vreg.scatter [tilespmem:s16], [sflag:$0x3], $0x80, v3, vm0, $0xb8;
	[tilespmem:$0x10200] =	vst v63  }
0x4a: {  	s17 =	simm.s32 $0x7A00  }
0x4b: {  	[hbm4b:s7+s2] =	stream.indirect_vreg.scatter [tilespmem:s17], [sflag:$0x3], $0x80, v3, vm0, $0xb8;
	[tilespmem:$0x10200] =	vst v63  }
0x4c: {  	_ =	swait.ge [sflag:s9], $0x8000  }
0x4d: {  	[sflag:s9] =	ssyncset.done $0x0  }
0x4e: {  	[sflag:s9] =	ssyncadd.s32 $0xFFFF8000  }
0x4f: {  	v3 =	vld [tilespmem:$0x100];
	_ =	sdelay $0x4  }
0x50: {  	v58 =	vshll.u32 v3, $0x3  }
0x51: {  	v3 =	vand.u32 $0x7, v3;
	v4 =	vand.u32 $0xFFFFFFC0, v58  }
0x52: {  	v3 =	vor.u32 v3, v4  }
0x53: {  	v4 =	vperm.xlane v3, v0;
	_ =	sdelay $0x1  }
0x54: {  	v4 =	vadd.s32 v1, v4;
	_ =	sdelay $0x4  }
0x55: {  	[hbm4b:s3+s2] =	stream.indirect_vreg.scatter [tilespmem:s10], [sflag:$0x3], $0x80, v4, vm0, $0xb8;
	[tilespmem:$0x10200] =	vst v63  }
0x56: {  	v3 =	vperm.xlane v3, v2  }
0x57: {  	[hbm4b:s5+s2] =	stream.indirect_vreg.scatter [tilespmem:s23], [sflag:$0x3], $0x80, v4, vm0, $0xb8;
	[tilespmem:$0x10200] =	vst v63  }
0x58: {  	v3 =	vadd.s32 v1, v3  }
0x59: {  	[hbm4b:s6+s2] =	stream.indirect_vreg.scatter [tilespmem:s24], [sflag:$0x3], $0x80, v4, vm0, $0xb8;
	[tilespmem:$0x10200] =	vst v63  }
0x5a: {  	_ = 	snop  }
0x5b: {  	[hbm4b:s7+s2] =	stream.indirect_vreg.scatter [tilespmem:s25], [sflag:$0x3], $0x80, v4, vm0, $0xb8;
	[tilespmem:$0x10200] =	vst v63  }
0x5c: {  	_ = 	snop  }
0x5d: {  	[hbm4b:s3+s2] =	stream.indirect_vreg.scatter [tilespmem:s26], [sflag:$0x3], $0x80, v3, vm0, $0xb8;
	[tilespmem:$0x10200] =	vst v63  }
0x5e: {  	_ = 	snop  }
0x5f: {  	[hbm4b:s5+s2] =	stream.indirect_vreg.scatter [tilespmem:s28], [sflag:$0x3], $0x80, v3, vm0, $0xb8;
	[tilespmem:$0x10200] =	vst v63  }
0x60: {  	_ = 	snop  }
0x61: {  	[hbm4b:s6+s2] =	stream.indirect_vreg.scatter [tilespmem:s30], [sflag:$0x3], $0x80, v3, vm0, $0xb8;
	[tilespmem:$0x10200] =	vst v63  }
0x62: {  	_ = 	snop  }
0x63: {  	[hbm4b:s7+s2] =	stream.indirect_vreg.scatter [tilespmem:s31], [sflag:$0x3], $0x80, v3, vm0, $0xb8;
	[tilespmem:$0x10200] =	vst v63  }
0x64: {  	v3 =	vld [tilespmem:$0x110];
	_ =	sdelay $0x4  }
0x65: {  	v59 =	vshll.u32 v3, $0x3  }
0x66: {  	v3 =	vand.u32 $0x7, v3;
	v4 =	vand.u32 $0xFFFFFFC0, v59  }
0x67: {  	v3 =	vor.u32 v3, v4  }
0x68: {  	v4 =	vperm.xlane v3, v0;
	_ =	sdelay $0x1  }
0x69: {  	v4 =	vadd.s32 v1, v4;
	_ =	sdelay $0x4  }
0x6a: {  	[hbm4b:s3+s2] =	stream.indirect_vreg.scatter [tilespmem:s0], [sflag:$0x3], $0x80, v4, vm0, $0xb8;
	[tilespmem:$0x10200] =	vst v63  }
0x6b: {  	v3 =	vperm.xlane v3, v2  }
0x6c: {  	[hbm4b:s5+s2] =	stream.indirect_vreg.scatter [tilespmem:s1], [sflag:$0x3], $0x80, v4, vm0, $0xb8;
	[tilespmem:$0x10200] =	vst v63  }
0x6d: {  	v3 =	vadd.s32 v1, v3  }
0x6e: {  	[hbm4b:s6+s2] =	stream.indirect_vreg.scatter [tilespmem:s4], [sflag:$0x3], $0x80, v4, vm0, $0xb8;
	[tilespmem:$0x10200] =	vst v63  }
0x6f: {  	_ = 	snop  }
0x70: {  	[hbm4b:s7+s2] =	stream.indirect_vreg.scatter [tilespmem:s13], [sflag:$0x3], $0x80, v4, vm0, $0xb8;
	[tilespmem:$0x10200] =	vst v63  }
0x71: {  	_ = 	snop  }
0x72: {  	[hbm4b:s3+s2] =	stream.indirect_vreg.scatter [tilespmem:s14], [sflag:$0x3], $0x80, v3, vm0, $0xb8;
	[tilespmem:$0x10200] =	vst v63  }
0x73: {  	_ = 	snop  }
0x74: {  	[hbm4b:s5+s2] =	stream.indirect_vreg.scatter [tilespmem:s15], [sflag:$0x3], $0x80, v3, vm0, $0xb8;
	[tilespmem:$0x10200] =	vst v63  }
0x75: {  	_ = 	snop  }
0x76: {  	[hbm4b:s6+s2] =	stream.indirect_vreg.scatter [tilespmem:s16], [sflag:$0x3], $0x80, v3, vm0, $0xb8;
	[tilespmem:$0x10200] =	vst v63  }
0x77: {  	_ = 	snop  }
0x78: {  	[hbm4b:s7+s2] =	stream.indirect_vreg.scatter [tilespmem:s17], [sflag:$0x3], $0x80, v3, vm0, $0xb8;
	[tilespmem:$0x10200] =	vst v63  }
0x79: {  	_ =	swait.ge [sflag:s9], $0x8000  }
0x7a: {  	[sflag:s9] =	ssyncset.done $0x0  }
0x7b: {  	[sflag:s9] =	ssyncadd.s32 $0xFFFF8000  }
0x7c: {  	_ =	swait.ge [sflag:s29], $0x8000  }
0x7d: {  	[sflag:s29] =	ssyncset.done $0x0  }
0x7e: {  	[sflag:s29] =	ssyncadd.s32 $0xFFFF8000  }
0x7f: {  	v3 =	vld [tilespmem:$0x80];
	_ =	sdelay $0x4  }
0x80: {  	v60 =	vshll.u32 v3, $0x3  }
0x81: {  	v3 =	vand.u32 $0x7, v3;
	v4 =	vand.u32 $0xFFFFFFC0, v60  }
0x82: {  	v3 =	vor.u32 v3, v4  }
0x83: {  	v4 =	vperm.xlane v3, v0;
	_ =	sdelay $0x1  }
0x84: {  	v4 =	vadd.s32 v1, v4;
	_ =	sdelay $0x4  }
0x85: {  	[hbm4b:s3+s2] =	stream.indirect_vreg.scatter [tilespmem:s11], [sflag:$0x3], $0x80, v4, vm0, $0xb8;
	[tilespmem:$0x10200] =	vst v63  }
0x86: {  	s0 =	simm.s32 $0x8A00;
	v3 =	vperm.xlane v3, v2  }
0x87: {  	[hbm4b:s5+s2] =	stream.indirect_vreg.scatter [tilespmem:s0], [sflag:$0x3], $0x80, v4, vm0, $0xb8;
	[tilespmem:$0x10200] =	vst v63  }
0x88: {  	s1 =	simm.s32 $0x9200;
	v3 =	vadd.s32 v1, v3  }
0x89: {  	[hbm4b:s6+s2] =	stream.indirect_vreg.scatter [tilespmem:s1], [sflag:$0x3], $0x80, v4, vm0, $0xb8;
	[tilespmem:$0x10200] =	vst v63  }
0x8a: {  	s4 =	simm.s32 $0x9A00  }
0x8b: {  	[hbm4b:s7+s2] =	stream.indirect_vreg.scatter [tilespmem:s4], [sflag:$0x3], $0x80, v4, vm0, $0xb8;
	[tilespmem:$0x10200] =	vst v63  }
0x8c: {  	s13 =	simm.s32 $0xA200  }
0x8d: {  	[hbm4b:s3+s2] =	stream.indirect_vreg.scatter [tilespmem:s13], [sflag:$0x3], $0x80, v3, vm0, $0xb8;
	[tilespmem:$0x10200] =	vst v63  }
0x8e: {  	s14 =	simm.s32 $0xAA00  }
0x8f: {  	[hbm4b:s5+s2] =	stream.indirect_vreg.scatter [tilespmem:s14], [sflag:$0x3], $0x80, v3, vm0, $0xb8;
	[tilespmem:$0x10200] =	vst v63  }
0x90: {  	s15 =	simm.s32 $0xB200  }
0x91: {  	[hbm4b:s6+s2] =	stream.indirect_vreg.scatter [tilespmem:s15], [sflag:$0x3], $0x80, v3, vm0, $0xb8;
	[tilespmem:$0x10200] =	vst v63  }
0x92: {  	s16 =	simm.s32 $0xBA00  }
0x93: {  	[hbm4b:s7+s2] =	stream.indirect_vreg.scatter [tilespmem:s16], [sflag:$0x3], $0x80, v3, vm0, $0xb8;
	[tilespmem:$0x10200] =	vst v63  }
0x94: {  	v3 =	vld [tilespmem:$0x90];
	_ =	sdelay $0x4  }
0x95: {  	v61 =	vshll.u32 v3, $0x3  }
0x96: {  	v3 =	vand.u32 $0x7, v3;
	v4 =	vand.u32 $0xFFFFFFC0, v61  }
0x97: {  	v3 =	vor.u32 v3, v4  }
0x98: {  	v4 =	vperm.xlane v3, v0;
	_ =	sdelay $0x1  }
0x99: {  	v4 =	vadd.s32 v1, v4;
	_ =	sdelay $0x3  }
0x9a: {  	s17 =	simm.s32 $0xC200  }
0x9b: {  	[hbm4b:s3+s2] =	stream.indirect_vreg.scatter [tilespmem:s17], [sflag:$0x3], $0x80, v4, vm0, $0xb8;
	[tilespmem:$0x10200] =	vst v63  }
0x9c: {  	s23 =	simm.s32 $0xCA00;
	v3 =	vperm.xlane v3, v2  }
0x9d: {  	[hbm4b:s5+s2] =	stream.indirect_vreg.scatter [tilespmem:s23], [sflag:$0x3], $0x80, v4, vm0, $0xb8;
	[tilespmem:$0x10200] =	vst v63  }
0x9e: {  	s24 =	simm.s32 $0xD200;
	v3 =	vadd.s32 v1, v3  }
0x9f: {  	[hbm4b:s6+s2] =	stream.indirect_vreg.scatter [tilespmem:s24], [sflag:$0x3], $0x80, v4, vm0, $0xb8;
	[tilespmem:$0x10200] =	vst v63  }
0xa0: {  	_ = 	snop  }
0xa1: {  	[hbm4b:s7+s2] =	stream.indirect_vreg.scatter [tilespmem:s18], [sflag:$0x3], $0x80, v4, vm0, $0xb8;
	[tilespmem:$0x10200] =	vst v63  }
0xa2: {  	_ = 	snop  }
0xa3: {  	[hbm4b:s3+s2] =	stream.indirect_vreg.scatter [tilespmem:s19], [sflag:$0x3], $0x80, v3, vm0, $0xb8;
	[tilespmem:$0x10200] =	vst v63  }
0xa4: {  	_ = 	snop  }
0xa5: {  	[hbm4b:s5+s2] =	stream.indirect_vreg.scatter [tilespmem:s20], [sflag:$0x3], $0x80, v3, vm0, $0xb8;
	[tilespmem:$0x10200] =	vst v63  }
0xa6: {  	_ = 	snop  }
0xa7: {  	[hbm4b:s6+s2] =	stream.indirect_vreg.scatter [tilespmem:s21], [sflag:$0x3], $0x80, v3, vm0, $0xb8;
	[tilespmem:$0x10200] =	vst v63  }
0xa8: {  	_ = 	snop  }
0xa9: {  	[hbm4b:s7+s2] =	stream.indirect_vreg.scatter [tilespmem:s22], [sflag:$0x3], $0x80, v3, vm0, $0xb8;
	[tilespmem:$0x10200] =	vst v63  }
0xaa: {  	_ =	swait.ge [sflag:s9], $0x8000  }
0xab: {  	[sflag:s9] =	ssyncset.done $0x0  }
0xac: {  	[sflag:s9] =	ssyncadd.s32 $0xFFFF8000  }
0xad: {  	v3 =	vld [tilespmem:$0x180];
	_ =	sdelay $0x4  }
0xae: {  	v62 =	vshll.u32 v3, $0x3  }
0xaf: {  	v3 =	vand.u32 $0x7, v3;
	v4 =	vand.u32 $0xFFFFFFC0, v62  }
0xb0: {  	v3 =	vor.u32 v3, v4  }
0xb1: {  	v4 =	vperm.xlane v3, v0;
	_ =	sdelay $0x1  }
0xb2: {  	v4 =	vadd.s32 v1, v4;
	_ =	sdelay $0x4  }
0xb3: {  	[hbm4b:s3+s2] =	stream.indirect_vreg.scatter [tilespmem:s11], [sflag:$0x3], $0x80, v4, vm0, $0xb8;
	[tilespmem:$0x10200] =	vst v63  }
0xb4: {  	v3 =	vperm.xlane v3, v2  }
0xb5: {  	[hbm4b:s5+s2] =	stream.indirect_vreg.scatter [tilespmem:s0], [sflag:$0x3], $0x80, v4, vm0, $0xb8;
	[tilespmem:$0x10200] =	vst v63  }
0xb6: {  	v3 =	vadd.s32 v1, v3  }
0xb7: {  	[hbm4b:s6+s2] =	stream.indirect_vreg.scatter [tilespmem:s1], [sflag:$0x3], $0x80, v4, vm0, $0xb8;
	[tilespmem:$0x10200] =	vst v63  }
0xb8: {  	_ = 	snop  }
0xb9: {  	[hbm4b:s7+s2] =	stream.indirect_vreg.scatter [tilespmem:s4], [sflag:$0x3], $0x80, v4, vm0, $0xb8;
	[tilespmem:$0x10200] =	vst v63  }
0xba: {  	_ = 	snop  }
0xbb: {  	[hbm4b:s3+s2] =	stream.indirect_vreg.scatter [tilespmem:s13], [sflag:$0x3], $0x80, v3, vm0, $0xb8;
	[tilespmem:$0x10200] =	vst v63  }
0xbc: {  	_ = 	snop  }
0xbd: {  	[hbm4b:s5+s2] =	stream.indirect_vreg.scatter [tilespmem:s14], [sflag:$0x3], $0x80, v3, vm0, $0xb8;
	[tilespmem:$0x10200] =	vst v63  }
0xbe: {  	_ = 	snop  }
0xbf: {  	[hbm4b:s6+s2] =	stream.indirect_vreg.scatter [tilespmem:s15], [sflag:$0x3], $0x80, v3, vm0, $0xb8;
	[tilespmem:$0x10200] =	vst v63  }
0xc0: {  	_ = 	snop  }
0xc1: {  	[hbm4b:s7+s2] =	stream.indirect_vreg.scatter [tilespmem:s16], [sflag:$0x3], $0x80, v3, vm0, $0xb8;
	[tilespmem:$0x10200] =	vst v63  }
0xc2: {  	v3 =	vld [tilespmem:$0x190];
	_ =	sdelay $0x4  }
0xc3: {  	v63 =	vshll.u32 v3, $0x3  }
0xc4: {  	v3 =	vand.u32 $0x7, v3;
	v4 =	vand.u32 $0xFFFFFFC0, v63  }
0xc5: {  	v3 =	vor.u32 v3, v4  }
0xc6: {  	v4 =	vperm.xlane v3, v0;
	_ =	sdelay $0x1  }
0xc7: {  	v4 =	vadd.s32 v1, v4;
	_ =	sdelay $0x4  }
0xc8: {  	[hbm4b:s3+s2] =	stream.indirect_vreg.scatter [tilespmem:s17], [sflag:$0x3], $0x80, v4, vm0, $0xb8;
	[tilespmem:$0x10200] =	vst v63  }
0xc9: {  	v3 =	vperm.xlane v3, v2  }
0xca: {  	[hbm4b:s5+s2] =	stream.indirect_vreg.scatter [tilespmem:s23], [sflag:$0x3], $0x80, v4, vm0, $0xb8;
	[tilespmem:$0x10200] =	vst v63  }
0xcb: {  	v3 =	vadd.s32 v1, v3  }
0xcc: {  	[hbm4b:s6+s2] =	stream.indirect_vreg.scatter [tilespmem:s24], [sflag:$0x3], $0x80, v4, vm0, $0xb8;
	[tilespmem:$0x10200] =	vst v63  }
0xcd: {  	_ = 	snop  }
0xce: {  	[hbm4b:s7+s2] =	stream.indirect_vreg.scatter [tilespmem:s18], [sflag:$0x3], $0x80, v4, vm0, $0xb8;
	[tilespmem:$0x10200] =	vst v63  }
0xcf: {  	_ = 	snop  }
0xd0: {  	[hbm4b:s3+s2] =	stream.indirect_vreg.scatter [tilespmem:s19], [sflag:$0x3], $0x80, v3, vm0, $0xb8;
	[tilespmem:$0x10200] =	vst v63  }
0xd1: {  	_ = 	snop  }
0xd2: {  	[hbm4b:s5+s2] =	stream.indirect_vreg.scatter [tilespmem:s20], [sflag:$0x3], $0x80, v3, vm0, $0xb8;
	[tilespmem:$0x10200] =	vst v63  }
0xd3: {  	p0 =	sne.s32 s8, $0x1  }
0xd4: {  	[hbm4b:s6+s2] =	stream.indirect_vreg.scatter [tilespmem:s21], [sflag:$0x3], $0x80, v3, vm0, $0xb8;
	[tilespmem:$0x10200] =	vst v63  }
.Ltmp0:
0xd5: {  	_ = 	snop;
	(pc) =	sbr.rel @p0 .LBB2_1-.Ltmp0, $4  }
0xd6: {  	[hbm4b:s7+s2] =	stream.indirect_vreg.scatter [tilespmem:s22], [sflag:$0x3], $0x80, v3, vm0, $0xb8;
	[tilespmem:$0x10200] =	vst v63  }
0xd7: {  	_ =	swait.ge [sflag:s9], $0x8000  }
0xd8: {  	[sflag:s9] =	ssyncset.done $0x0  }
0xd9: {  	s8 =	sadd.s32 $0xFFFFFFFF, s8;
	[sflag:s9] =	ssyncadd.s32 $0xFFFF8000  }
0xda: {  	_ =	sfence.sel $0x180000  }
0xdb: {  	[bflag:$0x0] =	sbarrier.arrive $0xFFFF  }
0xdc: {  	_ =	strace $0x9000004A  }
0xdd: {  	s0 =	stileid.u32;
	[bflag:$0x2] =	sbarrier.arrive $0xFFFF  }
0xde: {  	p0 =	sne.s32 s0, $0x0;
	s0 =	rddreg [dreg:$0x3]  }
0xdf: {  	s0 =	sadd.s32 @!p0 $0x100000, s0  }
0xe0: {  	[sflag:s0] =	ssyncadd.tile.s32 @!p0 $0x1;
	_ =	shalt  }
.Lfunc_end2:
_tile_overlayer_lowered:
.L_overlay_start_2:
0xe1: {  	(tag) =	ssettag $0x2  }
0xe2: {  	s0 =	rddreg [dreg:$0x0];
	s2 =	stileid.u32  }
0xe3: {  	s1 =	rddreg [dreg:$0x1];
	p0 =	sne.s32 s2, $0x0  }
0xe4: {  	s3 =	rddreg [dreg:$0x2];
	[bflag:$0x3] =	sbarrier.arrive $0xFFFF;
	s2 =	simm.s32 @!p0 $0x1C03  }
0xe5: {  	[timem:s3], [sflag:s2] =	dma.local @!p0 [hbm:s0], s1  }
0xe6: {  	s0 =	simm.s32 @!p0 $0x3  }
0xe7: {  	_ =	swait.ge @!p0 [sflag:s0], s1  }
0xe8: {  	s1 =	ssub.s32 @!p0 $0x0, s1;
	[sflag:s0] =	ssyncset.done @!p0 $0x0  }
0xe9: {  	[sflag:s0] =	ssyncadd.s32 @!p0 s1  }
0xea: {  	[bflag:$0x3] =	sbarrier.arrive $0xFFFF  }
0xeb: {  	_ =	shalt  }

</sc_bundles>
